<compile_context>
chip_gen: v7x
topology: tpu7x:2x2x1
jax: 0.10.2.dev20260603
libtpu: 0.0.44.dev20260713+nightly
codegen_flags: <defaults>
</compile_context>

<pallas_src>
import functools

import jax
import jax.numpy as jnp
from jax import lax
from jax.experimental import pallas as pl
from jax.experimental.pallas import tpu as pltpu
from jax.experimental.pallas import tpu_sc as plsc

NC = 2
NS = 16
NW = NC * NS
DCH = 128
SCH = 32
RB = 4
NP = 2
DEGW = 16


def _mesh():
    return plsc.VectorSubcoreMesh(core_axis_name="c", subcore_axis_name="s")


RBD = 4


def _sc_degree(dst2, n, npad, t):
    assert t % RBD == 0 and t // RBD >= 2

    def body(dst_hbm, deg_out, deg_sh, ones_v, zero_v, idx_v, *sems):
        cid = lax.axis_index("c")
        sid = lax.axis_index("s")
        wid = sid * NC + cid

        def fill(i, _):
            ones_v[i, :] = jnp.full((DEGW,), 1.0, jnp.float32)
            zero_v[i, :] = jnp.zeros((DEGW,), jnp.float32)
            return _

        lax.fori_loop(0, DCH, fill, 0)

        def zinit(j, _):
            pltpu.sync_copy(zero_v, deg_sh.at[pl.ds(sid * (npad // NS) + j * DCH, DCH)])
            return _

        lax.fori_loop(0, npad // NS // DCH, zinit, 0)
        pltpu.sync_copy(dst_hbm.at[pl.ds(wid * t, t)], idx_v)
        plsc.subcore_barrier()

        for b in range(RBD):
            pltpu.async_copy(ones_v, deg_sh.at[idx_v.at[b]], sems[b], add=True)

        def step(o, _):
            for b in range(RBD):
                pltpu.make_async_copy(ones_v, deg_sh.at[idx_v.at[0]], sems[b]).wait()
                pltpu.async_copy(ones_v, deg_sh.at[idx_v.at[o * RBD + b]], sems[b], add=True)
            return _

        lax.fori_loop(1, t // RBD, step, 0)
        for b in range(RBD):
            pltpu.make_async_copy(ones_v, deg_sh.at[idx_v.at[0]], sems[b]).wait()
        plsc.subcore_barrier()

        cp = npad // NS
        pltpu.sync_copy(deg_sh.at[pl.ds(sid * cp, cp)],
                        deg_out.at[cid, pl.ds(sid * cp, cp)])

    return pl.kernel(
        body,
        out_type=jax.ShapeDtypeStruct((NC, npad, DEGW), jnp.float32),
        mesh=_mesh(),
        scratch_types=[
            pltpu.VMEM_SHARED((npad, DEGW), jnp.float32),
            pltpu.VMEM((DCH, DEGW), jnp.float32),
            pltpu.VMEM((DCH, DEGW), jnp.float32),
            pltpu.VMEM((t, DCH), jnp.int32),
        ] + [pltpu.SemaphoreType.DMA for _ in range(RBD)],
    )(dst2)


def _sc_scatter(hp, srcp, dst2, n, npad, t, d):
    hc = t // NP
    assert t % NP == 0 and hc % RB == 0

    def body(hp_hbm, src_hbm, dst_hbm, acc_out, *refs):
        acc_sh, srcv, dstv, isem = refs[0], refs[1], refs[2], refs[3]
        rows = refs[4:4 + RB]
        gsem = refs[4 + RB:4 + 2 * RB]
        ssem = refs[4 + 2 * RB:4 + 3 * RB]
        cid = lax.axis_index("c")
        sid = lax.axis_index("s")
        wid = sid * NC + cid

        def zrow(i, _):
            rows[0][i // 8, pl.ds((i % 8) * 16, 16)] = jnp.zeros((16,), jnp.float32)
            return _

        lax.fori_loop(0, SCH * (d // 16), zrow, 0)

        nz = npad // NS // SCH
        for j in range(nz):
            pltpu.async_copy(rows[0], acc_sh.at[pl.ds(sid * (npad // NS) + j * SCH, SCH)], isem)
        for j in range(nz):
            pltpu.make_async_copy(rows[0], acc_sh.at[pl.ds(0, SCH)], isem).wait()
        plsc.subcore_barrier()

        for p in range(NP):
            pltpu.async_copy(
                src_hbm.at[pl.ds((wid * t + p * hc) * SCH, hc * SCH)], srcv, isem)
            pltpu.async_copy(dst_hbm.at[pl.ds(wid * t + p * hc, hc)], dstv, isem)
            pltpu.make_async_copy(
                src_hbm.at[pl.ds(0, hc * SCH)], srcv, isem).wait()
            pltpu.make_async_copy(dst_hbm.at[pl.ds(0, hc)], dstv, isem).wait()

            for b in range(RB - 1):
                pltpu.async_copy(hp_hbm.at[srcv.at[pl.ds(b * SCH, SCH)]], rows[b], gsem[b])

            def outer(o, _):
                for b in range(RB):
                    tt = o * RB + b
                    pltpu.make_async_copy(
                        hp_hbm.at[srcv.at[pl.ds(0, SCH)]], rows[b], gsem[b]).wait()
                    pltpu.async_copy(rows[b], acc_sh.at[dstv.at[tt]], ssem[b], add=True)
                    bu = (b - 1) % RB
                    uu = tt + RB - 1

                    @pl.when(uu < hc)
                    def _refill():
                        @pl.when(tt >= 1)
                        def _wait_prev():
                            pltpu.make_async_copy(
                                rows[bu], acc_sh.at[dstv.at[0]], ssem[bu]).wait()

                        pltpu.async_copy(
                            hp_hbm.at[srcv.at[pl.ds(uu * SCH, SCH)]], rows[bu], gsem[bu])
                return _

            lax.fori_loop(0, hc // RB, outer, 0)
            for b in range(RB):
                pltpu.make_async_copy(rows[b], acc_sh.at[dstv.at[0]], ssem[b]).wait()

        plsc.subcore_barrier()
        cp = npad // NS
        pltpu.sync_copy(acc_sh.at[pl.ds(sid * cp, cp)],
                        acc_out.at[cid, pl.ds(sid * cp, cp)])

    scratch = [
        pltpu.VMEM_SHARED((npad, d), jnp.float32),
        pltpu.VMEM((hc * SCH,), jnp.int32),
        pltpu.VMEM((hc, SCH), jnp.int32),
        pltpu.SemaphoreType.DMA,
    ]
    scratch += [pltpu.VMEM((SCH, d), jnp.float32) for _ in range(RB)]
    scratch += [pltpu.SemaphoreType.DMA for _ in range(2 * RB)]

    return pl.kernel(
        body,
        out_type=jax.ShapeDtypeStruct((NC, npad, d), jnp.float32),
        mesh=_mesh(),
        scratch_types=scratch,
    )(hp, srcp, dst2)


def _tc_mm_scale(x, w, deg_parts, bn):
    n, d_in = x.shape
    d_out = w.shape[1]

    def body(x_ref, w_ref, dp_ref, o_ref):
        h = jnp.dot(x_ref[...], w_ref[...], preferred_element_type=jnp.float32)
        deg = dp_ref[0, :, 0:1] + dp_ref[1, :, 0:1] + 1.0
        o_ref[...] = h * lax.rsqrt(deg)

    return pl.pallas_call(
        body,
        grid=(n // bn,),
        in_specs=[
            pl.BlockSpec((bn, d_in), lambda i: (i, 0)),
            pl.BlockSpec((d_in, d_out), lambda i: (0, 0)),
            pl.BlockSpec((NC, bn, DEGW), lambda i: (0, i, 0)),
        ],
        out_specs=pl.BlockSpec((bn, d_out), lambda i: (i, 0)),
        out_shape=jax.ShapeDtypeStruct((n, d_out), jnp.float32),
    )(x, w, deg_parts)


def _tc_combine(acc_parts, hp, deg_parts, b2, bn):
    n, d = hp.shape

    def body(ap_ref, hp_ref, dp_ref, b_ref, o_ref):
        deg = dp_ref[0, :, 0:1] + dp_ref[1, :, 0:1] + 1.0
        s = ap_ref[0] + ap_ref[1] + hp_ref[...]
        o_ref[...] = s * lax.rsqrt(deg) + b_ref[...]

    return pl.pallas_call(
        body,
        grid=(n // bn,),
        in_specs=[
            pl.BlockSpec((NC, bn, d), lambda i: (0, i, 0)),
            pl.BlockSpec((bn, d), lambda i: (i, 0)),
            pl.BlockSpec((NC, bn, DEGW), lambda i: (0, i, 0)),
            pl.BlockSpec((1, d), lambda i: (0, 0)),
        ],
        out_specs=pl.BlockSpec((bn, d), lambda i: (i, 0)),
        out_shape=jax.ShapeDtypeStruct((n, d), jnp.float32),
    )(acc_parts, hp, deg_parts, b2)


@jax.jit
def kernel(x, edge_index, W, b):
    n, d_in = x.shape
    d_out = W.shape[1]
    e = edge_index.shape[1]

    import math
    q = NW * math.lcm(DCH, SCH * NP * RB)
    ep = q * (-(-e // q))
    td = ep // (NW * DCH)
    ts = ep // (NW * SCH)
    src = edge_index[0]
    dst = edge_index[1]
    npad = NS * DCH * (-(-(n + 1) // (NS * DCH)))

    pad = jnp.arange(ep - e, dtype=jnp.int32)
    srcp = jnp.concatenate([src, pad % n])
    dstp = jnp.concatenate([dst, n + pad % (npad - n)])
    dst2 = dstp.reshape(NW * ts, SCH)

    dst2d = dstp.reshape(NW * td, DCH)
    deg_parts = _sc_degree(dst2d, n, npad, td)
    hp = _tc_mm_scale(x, W, deg_parts, bn=1000)
    acc_parts = _sc_scatter(hp, srcp, dst2, n, npad, ts, d_out)
    return _tc_combine(acc_parts, hp, deg_parts, b.reshape(1, d_out), bn=1000)

# --- scband reference (transcript-rebuilt; emitter-appended) ---
"""Pipeline reference for scband-graph-conv-24197845745955 (READ-ONLY COPY).

The authoritative reference and input builder live on the scoring server;
editing this copy changes nothing except your own understanding.
"""

import jax, jax.numpy as jnp
import numpy as np

N = 10000
E = 320000
D_IN = 128
D_OUT = 128


def setup_inputs(seed: int = 0) -> dict:
    key = jax.random.key(seed)
    k1, k2, k3, k4 = jax.random.split(key, 4)
    x = jax.random.normal(k1, (N, D_IN), dtype=jnp.float32)
    edge_index = jax.random.randint(k2, (2, E), 0, N, dtype=jnp.int32)
    # GCNConv params: Linear weight (glorot) and bias (zeros init, kept random-free)
    limit = float(np.sqrt(6.0 / (D_IN + D_OUT)))
    W = jax.random.uniform(k3, (D_IN, D_OUT), dtype=jnp.float32, minval=-limit, maxval=limit)
    b = jnp.zeros((D_OUT,), dtype=jnp.float32)
    return {"x": x, "edge_index": edge_index, "W": W, "b": b}


def reference(x, edge_index, W, b):
    # Faithful PyG GCNConv: add self-loops, symmetric normalization D^-1/2 A D^-1/2,
    # linear transform, scatter-add aggregation to destination nodes, then bias.
    src = edge_index[0]
    dst = edge_index[1]
    loop = jnp.arange(N, dtype=src.dtype)
    src = jnp.concatenate([src, loop], axis=0)
    dst = jnp.concatenate([dst, loop], axis=0)
    # degree computed over destination (in-degree including self-loop)
    deg = jnp.zeros((N,), dtype=x.dtype).at[dst].add(jnp.ones_like(dst, dtype=x.dtype))
    deg_inv_sqrt = jnp.where(deg > 0, jax.lax.rsqrt(deg), 0.0)
    norm = deg_inv_sqrt[src] * deg_inv_sqrt[dst]
    h = x @ W
    msg = h[src] * norm[:, None]
    out = jnp.zeros((N, D_OUT), dtype=x.dtype).at[dst].add(msg)
    out = out + b
    return out

if __name__ == "__main__":
    import jax
    _d = setup_inputs()
    print(jax.jit(kernel)(*tuple(_d.values())))

</pallas_src>

<mosaic_0001>
#map = affine_map<(d0, d1) -> (0, 0)>
#map1 = affine_map<(d0, d1) -> (0)>
#map2 = affine_map<(d0, d1) -> (0, 0, 0)>
module attributes {stable_mosaic.version = 14 : i64} {
  func.func @body(%arg0: i32, %arg1: i32, %arg2: memref<10000x128xf32, #tpu.memory_space<hbm>>, %arg3: memref<327680xi32, #tpu.memory_space<hbm>>, %arg4: memref<10240x32xi32, #tpu.memory_space<hbm>>, %arg5: memref<2x10240x128xf32, #tpu.memory_space<hbm>>, %arg6: memref<10240x128xf32, #tpu.memory_space<vmem_shared>>, %arg7: memref<5120xi32, #tpu.memory_space<vmem>>, %arg8: memref<160x32xi32, #tpu.memory_space<vmem>>, %arg9: memref<!tpu.dma_semaphore, #tpu.memory_space<semaphore_mem>>, %arg10: memref<32x128xf32, #tpu.memory_space<vmem>>, %arg11: memref<32x128xf32, #tpu.memory_space<vmem>>, %arg12: memref<32x128xf32, #tpu.memory_space<vmem>>, %arg13: memref<32x128xf32, #tpu.memory_space<vmem>>, %arg14: memref<!tpu.dma_semaphore, #tpu.memory_space<semaphore_mem>>, %arg15: memref<!tpu.dma_semaphore, #tpu.memory_space<semaphore_mem>>, %arg16: memref<!tpu.dma_semaphore, #tpu.memory_space<semaphore_mem>>, %arg17: memref<!tpu.dma_semaphore, #tpu.memory_space<semaphore_mem>>, %arg18: memref<!tpu.dma_semaphore, #tpu.memory_space<semaphore_mem>>, %arg19: memref<!tpu.dma_semaphore, #tpu.memory_space<semaphore_mem>>, %arg20: memref<!tpu.dma_semaphore, #tpu.memory_space<semaphore_mem>>, %arg21: memref<!tpu.dma_semaphore, #tpu.memory_space<semaphore_mem>>) attributes {dimension_semantics = [#tpu.dimension_semantics<core_parallel>, #tpu.dimension_semantics<subcore_parallel>], iteration_bounds = array<i64: 2, 16>, scalar_prefetch = 0 : i64, scratch_operands = 16 : i64, tpu.core_type = #tpu.core_type<sc_vector_subcore>, window_params = [{transform_indices = #map}, {transform_indices = #map1}, {transform_indices = #map}, {transform_indices = #map2}]} {
    %mul3A = arith.constant 2 : i32
    %mul3A_0 = arith.muli %arg1, %mul3A : i32
    %add3A = arith.addi %mul3A_0, %arg0 : i32
    %scan3A = arith.constant 0 : i32
    %scan3A_1 = arith.constant 0 : i32
    %scan3A_2 = arith.constant 256 : i32
    %scan3A_3 = arith.addi %scan3A_1, %scan3A_2 : i32
    %scan3A_4 = arith.constant 1 : i32
    scf.for %scan3A_439 = %scan3A_1 to %scan3A_3 step %scan3A_4  : i32 {
      %broadcast_in_dim3A = arith.constant 0.000000e+00 : f32
      %broadcast_in_dim3A_440 = vector.broadcast %broadcast_in_dim3A : f32 to vector<16xf32>
      %jit3A = arith.constant 8 : i32
      %div3A = arith.divsi %scan3A_439, %jit3A : i32
      %sign3A = arith.constant 0 : i32
      %sign3A_441 = arith.cmpi sgt, %scan3A_439, %sign3A : i32
      %sign3A_442 = arith.extui %sign3A_441 : i1 to i32
      %sign3A_443 = arith.constant 0 : i32
      %sign3A_444 = arith.cmpi slt, %scan3A_439, %sign3A_443 : i32
      %sign3A_445 = arith.extui %sign3A_444 : i1 to i32
      %sign3A_446 = arith.subi %sign3A_442, %sign3A_445 : i32
      %sign3A_447 = arith.constant 0 : i32
      %sign3A_448 = arith.cmpi sgt, %jit3A, %sign3A_447 : i32
      %sign3A_449 = arith.extui %sign3A_448 : i1 to i32
      %sign3A_450 = arith.constant 0 : i32
      %sign3A_451 = arith.cmpi slt, %jit3A, %sign3A_450 : i32
      %sign3A_452 = arith.extui %sign3A_451 : i1 to i32
      %sign3A_453 = arith.subi %sign3A_449, %sign3A_452 : i32
      %ne3A = arith.cmpi ne, %sign3A_446, %sign3A_453 : i32
      %rem3A = arith.remsi %scan3A_439, %jit3A : i32
      %ne3A_454 = arith.constant 0 : i32
      %ne3A_455 = arith.cmpi ne, %rem3A, %ne3A_454 : i32
      %and3A = arith.andi %ne3A, %ne3A_455 : i1
      %sub3A = arith.constant 1 : i32
      %sub3A_456 = arith.subi %div3A, %sub3A : i32
      %select_n3A = arith.select %and3A, %sub3A_456, %div3A : i32
      %jit3A_457 = arith.constant 8 : i32
      %eq3A = arith.constant 0 : i32
      %eq3A_458 = arith.cmpi eq, %jit3A_457, %eq3A : i32
      %jit3A_459 = arith.constant 1 : i32
      %select_n3A_460 = arith.select %eq3A_458, %jit3A_459, %jit3A_457 : i32
      %rem3A_461 = arith.remsi %scan3A_439, %select_n3A_460 : i32
      %ne3A_462 = arith.constant 0 : i32
      %ne3A_463 = arith.cmpi ne, %rem3A_461, %ne3A_462 : i32
      %lt3A = arith.constant 0 : i32
      %lt3A_464 = arith.cmpi slt, %rem3A_461, %lt3A : i32
      %lt3A_465 = arith.constant 0 : i32
      %lt3A_466 = arith.cmpi slt, %select_n3A_460, %lt3A_465 : i32
      %ne3A_467 = arith.xori %lt3A_464, %lt3A_466 : i1
      %and3A_468 = arith.andi %ne3A_467, %ne3A_463 : i1
      %add3A_469 = arith.addi %rem3A_461, %select_n3A_460 : i32
      %select_n3A_470 = arith.select %and3A_468, %add3A_469, %rem3A_461 : i32
      %mul3A_471 = arith.constant 16 : i32
      %mul3A_472 = arith.muli %select_n3A_470, %mul3A_471 : i32
      %swap3A = arith.index_cast %select_n3A : i32 to index
      %swap3A_473 = arith.index_cast %mul3A_472 : i32 to index
      %swap3A_474 = tpu.vector_load %arg10[%swap3A, %swap3A_473] {strides = array<i32>} : memref<32x128xf32, #tpu.memory_space<vmem>>, vector<1x16xf32>,
      %swap3A_475 = vector.shape_cast %swap3A_474 : vector<1x16xf32> to vector<16xf32>
      %swap3A_476 = vector.shape_cast %broadcast_in_dim3A_440 : vector<16xf32> to vector<1x16xf32>
      tpu.vector_store %arg10[%swap3A, %swap3A_473], %swap3A_476 {strides = array<i32>} : memref<32x128xf32, #tpu.memory_space<vmem>>, vector<1x16xf32>,
    }
    %scan3A_5 = arith.constant 256 : i32
    %mul3A_6 = arith.constant 640 : i32
    %mul3A_7 = arith.muli %arg1, %mul3A_6 : i32
    %add3A_8 = arith.constant 0 : i32
    %add3A_9 = arith.addi %mul3A_7, %add3A_8 : i32
    %dma_start3A = arith.constant 0 : i32
    %dma_start3A_10 = tpu.memref_slice %arg6[%add3A_9, %dma_start3A] : memref<10240x128xf32, #tpu.memory_space<vmem_shared>> -> memref<32x128xf32, #tpu.memory_space<vmem_shared>>
    %dma_start3A_11 = arith.constant 0 : i32
    %dma_start3A_12 = tpu.memref_slice %arg6[%add3A_9, %dma_start3A_11] : memref<10240x128xf32, #tpu.memory_space<vmem_shared>> -> memref<32x128xf32, #tpu.memory_space<vmem_shared>>
    tpu.enqueue_dma source(%arg10 : memref<32x128xf32, #tpu.memory_space<vmem>>) target(%dma_start3A_12 : memref<32x128xf32, #tpu.memory_space<vmem_shared>>) target_semaphore(%arg9 : memref<!tpu.dma_semaphore, #tpu.memory_space<semaphore_mem>>)
    %mul3A_13 = arith.constant 640 : i32
    %mul3A_14 = arith.muli %arg1, %mul3A_13 : i32
    %add3A_15 = arith.constant 32 : i32
    %add3A_16 = arith.addi %mul3A_14, %add3A_15 : i32
    %dma_start3A_17 = arith.constant 0 : i32
    %dma_start3A_18 = tpu.memref_slice %arg6[%add3A_16, %dma_start3A_17] : memref<10240x128xf32, #tpu.memory_space<vmem_shared>> -> memref<32x128xf32, #tpu.memory_space<vmem_shared>>
    %dma_start3A_19 = arith.constant 0 : i32
    %dma_start3A_20 = tpu.memref_slice %arg6[%add3A_16, %dma_start3A_19] : memref<10240x128xf32, #tpu.memory_space<vmem_shared>> -> memref<32x128xf32, #tpu.memory_space<vmem_shared>>
    tpu.enqueue_dma source(%arg10 : memref<32x128xf32, #tpu.memory_space<vmem>>) target(%dma_start3A_20 : memref<32x128xf32, #tpu.memory_space<vmem_shared>>) target_semaphore(%arg9 : memref<!tpu.dma_semaphore, #tpu.memory_space<semaphore_mem>>)
    %mul3A_21 = arith.constant 640 : i32
    %mul3A_22 = arith.muli %arg1, %mul3A_21 : i32
    %add3A_23 = arith.constant 64 : i32
    %add3A_24 = arith.addi %mul3A_22, %add3A_23 : i32
    %dma_start3A_25 = arith.constant 0 : i32
    %dma_start3A_26 = tpu.memref_slice %arg6[%add3A_24, %dma_start3A_25] : memref<10240x128xf32, #tpu.memory_space<vmem_shared>> -> memref<32x128xf32, #tpu.memory_space<vmem_shared>>
    %dma_start3A_27 = arith.constant 0 : i32
    %dma_start3A_28 = tpu.memref_slice %arg6[%add3A_24, %dma_start3A_27] : memref<10240x128xf32, #tpu.memory_space<vmem_shared>> -> memref<32x128xf32, #tpu.memory_space<vmem_shared>>
    tpu.enqueue_dma source(%arg10 : memref<32x128xf32, #tpu.memory_space<vmem>>) target(%dma_start3A_28 : memref<32x128xf32, #tpu.memory_space<vmem_shared>>) target_semaphore(%arg9 : memref<!tpu.dma_semaphore, #tpu.memory_space<semaphore_mem>>)
    %mul3A_29 = arith.constant 640 : i32
    %mul3A_30 = arith.muli %arg1, %mul3A_29 : i32
    %add3A_31 = arith.constant 96 : i32
    %add3A_32 = arith.addi %mul3A_30, %add3A_31 : i32
    %dma_start3A_33 = arith.constant 0 : i32
    %dma_start3A_34 = tpu.memref_slice %arg6[%add3A_32, %dma_start3A_33] : memref<10240x128xf32, #tpu.memory_space<vmem_shared>> -> memref<32x128xf32, #tpu.memory_space<vmem_shared>>
    %dma_start3A_35 = arith.constant 0 : i32
    %dma_start3A_36 = tpu.memref_slice %arg6[%add3A_32, %dma_start3A_35] : memref<10240x128xf32, #tpu.memory_space<vmem_shared>> -> memref<32x128xf32, #tpu.memory_space<vmem_shared>>
    tpu.enqueue_dma source(%arg10 : memref<32x128xf32, #tpu.memory_space<vmem>>) target(%dma_start3A_36 : memref<32x128xf32, #tpu.memory_space<vmem_shared>>) target_semaphore(%arg9 : memref<!tpu.dma_semaphore, #tpu.memory_space<semaphore_mem>>)
    %mul3A_37 = arith.constant 640 : i32
    %mul3A_38 = arith.muli %arg1, %mul3A_37 : i32
    %add3A_39 = arith.constant 128 : i32
    %add3A_40 = arith.addi %mul3A_38, %add3A_39 : i32
    %dma_start3A_41 = arith.constant 0 : i32
    %dma_start3A_42 = tpu.memref_slice %arg6[%add3A_40, %dma_start3A_41] : memref<10240x128xf32, #tpu.memory_space<vmem_shared>> -> memref<32x128xf32, #tpu.memory_space<vmem_shared>>
    %dma_start3A_43 = arith.constant 0 : i32
    %dma_start3A_44 = tpu.memref_slice %arg6[%add3A_40, %dma_start3A_43] : memref<10240x128xf32, #tpu.memory_space<vmem_shared>> -> memref<32x128xf32, #tpu.memory_space<vmem_shared>>
    tpu.enqueue_dma source(%arg10 : memref<32x128xf32, #tpu.memory_space<vmem>>) target(%dma_start3A_44 : memref<32x128xf32, #tpu.memory_space<vmem_shared>>) target_semaphore(%arg9 : memref<!tpu.dma_semaphore, #tpu.memory_space<semaphore_mem>>)
    %mul3A_45 = arith.constant 640 : i32
    %mul3A_46 = arith.muli %arg1, %mul3A_45 : i32
    %add3A_47 = arith.constant 160 : i32
    %add3A_48 = arith.addi %mul3A_46, %add3A_47 : i32
    %dma_start3A_49 = arith.constant 0 : i32
    %dma_start3A_50 = tpu.memref_slice %arg6[%add3A_48, %dma_start3A_49] : memref<10240x128xf32, #tpu.memory_space<vmem_shared>> -> memref<32x128xf32, #tpu.memory_space<vmem_shared>>
    %dma_start3A_51 = arith.constant 0 : i32
    %dma_start3A_52 = tpu.memref_slice %arg6[%add3A_48, %dma_start3A_51] : memref<10240x128xf32, #tpu.memory_space<vmem_shared>> -> memref<32x128xf32, #tpu.memory_space<vmem_shared>>
    tpu.enqueue_dma source(%arg10 : memref<32x128xf32, #tpu.memory_space<vmem>>) target(%dma_start3A_52 : memref<32x128xf32, #tpu.memory_space<vmem_shared>>) target_semaphore(%arg9 : memref<!tpu.dma_semaphore, #tpu.memory_space<semaphore_mem>>)
    %mul3A_53 = arith.constant 640 : i32
    %mul3A_54 = arith.muli %arg1, %mul3A_53 : i32
    %add3A_55 = arith.constant 192 : i32
    %add3A_56 = arith.addi %mul3A_54, %add3A_55 : i32
    %dma_start3A_57 = arith.constant 0 : i32
    %dma_start3A_58 = tpu.memref_slice %arg6[%add3A_56, %dma_start3A_57] : memref<10240x128xf32, #tpu.memory_space<vmem_shared>> -> memref<32x128xf32, #tpu.memory_space<vmem_shared>>
    %dma_start3A_59 = arith.constant 0 : i32
    %dma_start3A_60 = tpu.memref_slice %arg6[%add3A_56, %dma_start3A_59] : memref<10240x128xf32, #tpu.memory_space<vmem_shared>> -> memref<32x128xf32, #tpu.memory_space<vmem_shared>>
    tpu.enqueue_dma source(%arg10 : memref<32x128xf32, #tpu.memory_space<vmem>>) target(%dma_start3A_60 : memref<32x128xf32, #tpu.memory_space<vmem_shared>>) target_semaphore(%arg9 : memref<!tpu.dma_semaphore, #tpu.memory_space<semaphore_mem>>)
    %mul3A_61 = arith.constant 640 : i32
    %mul3A_62 = arith.muli %arg1, %mul3A_61 : i32
    %add3A_63 = arith.constant 224 : i32
    %add3A_64 = arith.addi %mul3A_62, %add3A_63 : i32
    %dma_start3A_65 = arith.constant 0 : i32
    %dma_start3A_66 = tpu.memref_slice %arg6[%add3A_64, %dma_start3A_65] : memref<10240x128xf32, #tpu.memory_space<vmem_shared>> -> memref<32x128xf32, #tpu.memory_space<vmem_shared>>
    %dma_start3A_67 = arith.constant 0 : i32
    %dma_start3A_68 = tpu.memref_slice %arg6[%add3A_64, %dma_start3A_67] : memref<10240x128xf32, #tpu.memory_space<vmem_shared>> -> memref<32x128xf32, #tpu.memory_space<vmem_shared>>
    tpu.enqueue_dma source(%arg10 : memref<32x128xf32, #tpu.memory_space<vmem>>) target(%dma_start3A_68 : memref<32x128xf32, #tpu.memory_space<vmem_shared>>) target_semaphore(%arg9 : memref<!tpu.dma_semaphore, #tpu.memory_space<semaphore_mem>>)
    %mul3A_69 = arith.constant 640 : i32
    %mul3A_70 = arith.muli %arg1, %mul3A_69 : i32
    %add3A_71 = arith.constant 256 : i32
    %add3A_72 = arith.addi %mul3A_70, %add3A_71 : i32
    %dma_start3A_73 = arith.constant 0 : i32
    %dma_start3A_74 = tpu.memref_slice %arg6[%add3A_72, %dma_start3A_73] : memref<10240x128xf32, #tpu.memory_space<vmem_shared>> -> memref<32x128xf32, #tpu.memory_space<vmem_shared>>
    %dma_start3A_75 = arith.constant 0 : i32
    %dma_start3A_76 = tpu.memref_slice %arg6[%add3A_72, %dma_start3A_75] : memref<10240x128xf32, #tpu.memory_space<vmem_shared>> -> memref<32x128xf32, #tpu.memory_space<vmem_shared>>
    tpu.enqueue_dma source(%arg10 : memref<32x128xf32, #tpu.memory_space<vmem>>) target(%dma_start3A_76 : memref<32x128xf32, #tpu.memory_space<vmem_shared>>) target_semaphore(%arg9 : memref<!tpu.dma_semaphore, #tpu.memory_space<semaphore_mem>>)
    %mul3A_77 = arith.constant 640 : i32
    %mul3A_78 = arith.muli %arg1, %mul3A_77 : i32
    %add3A_79 = arith.constant 288 : i32
    %add3A_80 = arith.addi %mul3A_78, %add3A_79 : i32
    %dma_start3A_81 = arith.constant 0 : i32
    %dma_start3A_82 = tpu.memref_slice %arg6[%add3A_80, %dma_start3A_81] : memref<10240x128xf32, #tpu.memory_space<vmem_shared>> -> memref<32x128xf32, #tpu.memory_space<vmem_shared>>
    %dma_start3A_83 = arith.constant 0 : i32
    %dma_start3A_84 = tpu.memref_slice %arg6[%add3A_80, %dma_start3A_83] : memref<10240x128xf32, #tpu.memory_space<vmem_shared>> -> memref<32x128xf32, #tpu.memory_space<vmem_shared>>
    tpu.enqueue_dma source(%arg10 : memref<32x128xf32, #tpu.memory_space<vmem>>) target(%dma_start3A_84 : memref<32x128xf32, #tpu.memory_space<vmem_shared>>) target_semaphore(%arg9 : memref<!tpu.dma_semaphore, #tpu.memory_space<semaphore_mem>>)
    %mul3A_85 = arith.constant 640 : i32
    %mul3A_86 = arith.muli %arg1, %mul3A_85 : i32
    %add3A_87 = arith.constant 320 : i32
    %add3A_88 = arith.addi %mul3A_86, %add3A_87 : i32
    %dma_start3A_89 = arith.constant 0 : i32
    %dma_start3A_90 = tpu.memref_slice %arg6[%add3A_88, %dma_start3A_89] : memref<10240x128xf32, #tpu.memory_space<vmem_shared>> -> memref<32x128xf32, #tpu.memory_space<vmem_shared>>
    %dma_start3A_91 = arith.constant 0 : i32
    %dma_start3A_92 = tpu.memref_slice %arg6[%add3A_88, %dma_start3A_91] : memref<10240x128xf32, #tpu.memory_space<vmem_shared>> -> memref<32x128xf32, #tpu.memory_space<vmem_shared>>
    tpu.enqueue_dma source(%arg10 : memref<32x128xf32, #tpu.memory_space<vmem>>) target(%dma_start3A_92 : memref<32x128xf32, #tpu.memory_space<vmem_shared>>) target_semaphore(%arg9 : memref<!tpu.dma_semaphore, #tpu.memory_space<semaphore_mem>>)
    %mul3A_93 = arith.constant 640 : i32
    %mul3A_94 = arith.muli %arg1, %mul3A_93 : i32
    %add3A_95 = arith.constant 352 : i32
    %add3A_96 = arith.addi %mul3A_94, %add3A_95 : i32
    %dma_start3A_97 = arith.constant 0 : i32
    %dma_start3A_98 = tpu.memref_slice %arg6[%add3A_96, %dma_start3A_97] : memref<10240x128xf32, #tpu.memory_space<vmem_shared>> -> memref<32x128xf32, #tpu.memory_space<vmem_shared>>
    %dma_start3A_99 = arith.constant 0 : i32
    %dma_start3A_100 = tpu.memref_slice %arg6[%add3A_96, %dma_start3A_99] : memref<10240x128xf32, #tpu.memory_space<vmem_shared>> -> memref<32x128xf32, #tpu.memory_space<vmem_shared>>
    tpu.enqueue_dma source(%arg10 : memref<32x128xf32, #tpu.memory_space<vmem>>) target(%dma_start3A_100 : memref<32x128xf32, #tpu.memory_space<vmem_shared>>) target_semaphore(%arg9 : memref<!tpu.dma_semaphore, #tpu.memory_space<semaphore_mem>>)
    %mul3A_101 = arith.constant 640 : i32
    %mul3A_102 = arith.muli %arg1, %mul3A_101 : i32
    %add3A_103 = arith.constant 384 : i32
    %add3A_104 = arith.addi %mul3A_102, %add3A_103 : i32
    %dma_start3A_105 = arith.constant 0 : i32
    %dma_start3A_106 = tpu.memref_slice %arg6[%add3A_104, %dma_start3A_105] : memref<10240x128xf32, #tpu.memory_space<vmem_shared>> -> memref<32x128xf32, #tpu.memory_space<vmem_shared>>
    %dma_start3A_107 = arith.constant 0 : i32
    %dma_start3A_108 = tpu.memref_slice %arg6[%add3A_104, %dma_start3A_107] : memref<10240x128xf32, #tpu.memory_space<vmem_shared>> -> memref<32x128xf32, #tpu.memory_space<vmem_shared>>
    tpu.enqueue_dma source(%arg10 : memref<32x128xf32, #tpu.memory_space<vmem>>) target(%dma_start3A_108 : memref<32x128xf32, #tpu.memory_space<vmem_shared>>) target_semaphore(%arg9 : memref<!tpu.dma_semaphore, #tpu.memory_space<semaphore_mem>>)
    %mul3A_109 = arith.constant 640 : i32
    %mul3A_110 = arith.muli %arg1, %mul3A_109 : i32
    %add3A_111 = arith.constant 416 : i32
    %add3A_112 = arith.addi %mul3A_110, %add3A_111 : i32
    %dma_start3A_113 = arith.constant 0 : i32
    %dma_start3A_114 = tpu.memref_slice %arg6[%add3A_112, %dma_start3A_113] : memref<10240x128xf32, #tpu.memory_space<vmem_shared>> -> memref<32x128xf32, #tpu.memory_space<vmem_shared>>
    %dma_start3A_115 = arith.constant 0 : i32
    %dma_start3A_116 = tpu.memref_slice %arg6[%add3A_112, %dma_start3A_115] : memref<10240x128xf32, #tpu.memory_space<vmem_shared>> -> memref<32x128xf32, #tpu.memory_space<vmem_shared>>
    tpu.enqueue_dma source(%arg10 : memref<32x128xf32, #tpu.memory_space<vmem>>) target(%dma_start3A_116 : memref<32x128xf32, #tpu.memory_space<vmem_shared>>) target_semaphore(%arg9 : memref<!tpu.dma_semaphore, #tpu.memory_space<semaphore_mem>>)
    %mul3A_117 = arith.constant 640 : i32
    %mul3A_118 = arith.muli %arg1, %mul3A_117 : i32
    %add3A_119 = arith.constant 448 : i32
    %add3A_120 = arith.addi %mul3A_118, %add3A_119 : i32
    %dma_start3A_121 = arith.constant 0 : i32
    %dma_start3A_122 = tpu.memref_slice %arg6[%add3A_120, %dma_start3A_121] : memref<10240x128xf32, #tpu.memory_space<vmem_shared>> -> memref<32x128xf32, #tpu.memory_space<vmem_shared>>
    %dma_start3A_123 = arith.constant 0 : i32
    %dma_start3A_124 = tpu.memref_slice %arg6[%add3A_120, %dma_start3A_123] : memref<10240x128xf32, #tpu.memory_space<vmem_shared>> -> memref<32x128xf32, #tpu.memory_space<vmem_shared>>
    tpu.enqueue_dma source(%arg10 : memref<32x128xf32, #tpu.memory_space<vmem>>) target(%dma_start3A_124 : memref<32x128xf32, #tpu.memory_space<vmem_shared>>) target_semaphore(%arg9 : memref<!tpu.dma_semaphore, #tpu.memory_space<semaphore_mem>>)
    %mul3A_125 = arith.constant 640 : i32
    %mul3A_126 = arith.muli %arg1, %mul3A_125 : i32
    %add3A_127 = arith.constant 480 : i32
    %add3A_128 = arith.addi %mul3A_126, %add3A_127 : i32
    %dma_start3A_129 = arith.constant 0 : i32
    %dma_start3A_130 = tpu.memref_slice %arg6[%add3A_128, %dma_start3A_129] : memref<10240x128xf32, #tpu.memory_space<vmem_shared>> -> memref<32x128xf32, #tpu.memory_space<vmem_shared>>
    %dma_start3A_131 = arith.constant 0 : i32
    %dma_start3A_132 = tpu.memref_slice %arg6[%add3A_128, %dma_start3A_131] : memref<10240x128xf32, #tpu.memory_space<vmem_shared>> -> memref<32x128xf32, #tpu.memory_space<vmem_shared>>
    tpu.enqueue_dma source(%arg10 : memref<32x128xf32, #tpu.memory_space<vmem>>) target(%dma_start3A_132 : memref<32x128xf32, #tpu.memory_space<vmem_shared>>) target_semaphore(%arg9 : memref<!tpu.dma_semaphore, #tpu.memory_space<semaphore_mem>>)
    %mul3A_133 = arith.constant 640 : i32
    %mul3A_134 = arith.muli %arg1, %mul3A_133 : i32
    %add3A_135 = arith.constant 512 : i32
    %add3A_136 = arith.addi %mul3A_134, %add3A_135 : i32
    %dma_start3A_137 = arith.constant 0 : i32
    %dma_start3A_138 = tpu.memref_slice %arg6[%add3A_136, %dma_start3A_137] : memref<10240x128xf32, #tpu.memory_space<vmem_shared>> -> memref<32x128xf32, #tpu.memory_space<vmem_shared>>
    %dma_start3A_139 = arith.constant 0 : i32
    %dma_start3A_140 = tpu.memref_slice %arg6[%add3A_136, %dma_start3A_139] : memref<10240x128xf32, #tpu.memory_space<vmem_shared>> -> memref<32x128xf32, #tpu.memory_space<vmem_shared>>
    tpu.enqueue_dma source(%arg10 : memref<32x128xf32, #tpu.memory_space<vmem>>) target(%dma_start3A_140 : memref<32x128xf32, #tpu.memory_space<vmem_shared>>) target_semaphore(%arg9 : memref<!tpu.dma_semaphore, #tpu.memory_space<semaphore_mem>>)
    %mul3A_141 = arith.constant 640 : i32
    %mul3A_142 = arith.muli %arg1, %mul3A_141 : i32
    %add3A_143 = arith.constant 544 : i32
    %add3A_144 = arith.addi %mul3A_142, %add3A_143 : i32
    %dma_start3A_145 = arith.constant 0 : i32
    %dma_start3A_146 = tpu.memref_slice %arg6[%add3A_144, %dma_start3A_145] : memref<10240x128xf32, #tpu.memory_space<vmem_shared>> -> memref<32x128xf32, #tpu.memory_space<vmem_shared>>
    %dma_start3A_147 = arith.constant 0 : i32
    %dma_start3A_148 = tpu.memref_slice %arg6[%add3A_144, %dma_start3A_147] : memref<10240x128xf32, #tpu.memory_space<vmem_shared>> -> memref<32x128xf32, #tpu.memory_space<vmem_shared>>
    tpu.enqueue_dma source(%arg10 : memref<32x128xf32, #tpu.memory_space<vmem>>) target(%dma_start3A_148 : memref<32x128xf32, #tpu.memory_space<vmem_shared>>) target_semaphore(%arg9 : memref<!tpu.dma_semaphore, #tpu.memory_space<semaphore_mem>>)
    %mul3A_149 = arith.constant 640 : i32
    %mul3A_150 = arith.muli %arg1, %mul3A_149 : i32
    %add3A_151 = arith.constant 576 : i32
    %add3A_152 = arith.addi %mul3A_150, %add3A_151 : i32
    %dma_start3A_153 = arith.constant 0 : i32
    %dma_start3A_154 = tpu.memref_slice %arg6[%add3A_152, %dma_start3A_153] : memref<10240x128xf32, #tpu.memory_space<vmem_shared>> -> memref<32x128xf32, #tpu.memory_space<vmem_shared>>
    %dma_start3A_155 = arith.constant 0 : i32
    %dma_start3A_156 = tpu.memref_slice %arg6[%add3A_152, %dma_start3A_155] : memref<10240x128xf32, #tpu.memory_space<vmem_shared>> -> memref<32x128xf32, #tpu.memory_space<vmem_shared>>
    tpu.enqueue_dma source(%arg10 : memref<32x128xf32, #tpu.memory_space<vmem>>) target(%dma_start3A_156 : memref<32x128xf32, #tpu.memory_space<vmem_shared>>) target_semaphore(%arg9 : memref<!tpu.dma_semaphore, #tpu.memory_space<semaphore_mem>>)
    %mul3A_157 = arith.constant 640 : i32
    %mul3A_158 = arith.muli %arg1, %mul3A_157 : i32
    %add3A_159 = arith.constant 608 : i32
    %add3A_160 = arith.addi %mul3A_158, %add3A_159 : i32
    %dma_start3A_161 = arith.constant 0 : i32
    %dma_start3A_162 = tpu.memref_slice %arg6[%add3A_160, %dma_start3A_161] : memref<10240x128xf32, #tpu.memory_space<vmem_shared>> -> memref<32x128xf32, #tpu.memory_space<vmem_shared>>
    %dma_start3A_163 = arith.constant 0 : i32
    %dma_start3A_164 = tpu.memref_slice %arg6[%add3A_160, %dma_start3A_163] : memref<10240x128xf32, #tpu.memory_space<vmem_shared>> -> memref<32x128xf32, #tpu.memory_space<vmem_shared>>
    tpu.enqueue_dma source(%arg10 : memref<32x128xf32, #tpu.memory_space<vmem>>) target(%dma_start3A_164 : memref<32x128xf32, #tpu.memory_space<vmem_shared>>) target_semaphore(%arg9 : memref<!tpu.dma_semaphore, #tpu.memory_space<semaphore_mem>>)
    %dma_wait3A = arith.constant 0 : i32
    %dma_wait3A_165 = arith.constant 0 : i32
    %dma_wait3A_166 = tpu.memref_slice %arg6[%dma_wait3A, %dma_wait3A_165] : memref<10240x128xf32, #tpu.memory_space<vmem_shared>> -> memref<32x128xf32, #tpu.memory_space<vmem_shared>>
    %dma_wait3A_167 = arith.constant 0 : i32
    %dma_wait3A_168 = arith.constant 0 : i32
    %dma_wait3A_169 = tpu.memref_slice %arg6[%dma_wait3A_167, %dma_wait3A_168] : memref<10240x128xf32, #tpu.memory_space<vmem_shared>> -> memref<32x128xf32, #tpu.memory_space<vmem_shared>>
    tpu.wait_dma2 semaphore(%arg9 : memref<!tpu.dma_semaphore, #tpu.memory_space<semaphore_mem>>) src(%arg10 : memref<32x128xf32, #tpu.memory_space<vmem>>) dst(%dma_wait3A_169 : memref<32x128xf32, #tpu.memory_space<vmem_shared>>)
    %dma_wait3A_170 = arith.constant 0 : i32
    %dma_wait3A_171 = arith.constant 0 : i32
    %dma_wait3A_172 = tpu.memref_slice %arg6[%dma_wait3A_170, %dma_wait3A_171] : memref<10240x128xf32, #tpu.memory_space<vmem_shared>> -> memref<32x128xf32, #tpu.memory_space<vmem_shared>>
    %dma_wait3A_173 = arith.constant 0 : i32
    %dma_wait3A_174 = arith.constant 0 : i32
    %dma_wait3A_175 = tpu.memref_slice %arg6[%dma_wait3A_173, %dma_wait3A_174] : memref<10240x128xf32, #tpu.memory_space<vmem_shared>> -> memref<32x128xf32, #tpu.memory_space<vmem_shared>>
    tpu.wait_dma2 semaphore(%arg9 : memref<!tpu.dma_semaphore, #tpu.memory_space<semaphore_mem>>) src(%arg10 : memref<32x128xf32, #tpu.memory_space<vmem>>) dst(%dma_wait3A_175 : memref<32x128xf32, #tpu.memory_space<vmem_shared>>)
    %dma_wait3A_176 = arith.constant 0 : i32
    %dma_wait3A_177 = arith.constant 0 : i32
    %dma_wait3A_178 = tpu.memref_slice %arg6[%dma_wait3A_176, %dma_wait3A_177] : memref<10240x128xf32, #tpu.memory_space<vmem_shared>> -> memref<32x128xf32, #tpu.memory_space<vmem_shared>>
    %dma_wait3A_179 = arith.constant 0 : i32
    %dma_wait3A_180 = arith.constant 0 : i32
    %dma_wait3A_181 = tpu.memref_slice %arg6[%dma_wait3A_179, %dma_wait3A_180] : memref<10240x128xf32, #tpu.memory_space<vmem_shared>> -> memref<32x128xf32, #tpu.memory_space<vmem_shared>>
    tpu.wait_dma2 semaphore(%arg9 : memref<!tpu.dma_semaphore, #tpu.memory_space<semaphore_mem>>) src(%arg10 : memref<32x128xf32, #tpu.memory_space<vmem>>) dst(%dma_wait3A_181 : memref<32x128xf32, #tpu.memory_space<vmem_shared>>)
    %dma_wait3A_182 = arith.constant 0 : i32
    %dma_wait3A_183 = arith.constant 0 : i32
    %dma_wait3A_184 = tpu.memref_slice %arg6[%dma_wait3A_182, %dma_wait3A_183] : memref<10240x128xf32, #tpu.memory_space<vmem_shared>> -> memref<32x128xf32, #tpu.memory_space<vmem_shared>>
    %dma_wait3A_185 = arith.constant 0 : i32
    %dma_wait3A_186 = arith.constant 0 : i32
    %dma_wait3A_187 = tpu.memref_slice %arg6[%dma_wait3A_185, %dma_wait3A_186] : memref<10240x128xf32, #tpu.memory_space<vmem_shared>> -> memref<32x128xf32, #tpu.memory_space<vmem_shared>>
    tpu.wait_dma2 semaphore(%arg9 : memref<!tpu.dma_semaphore, #tpu.memory_space<semaphore_mem>>) src(%arg10 : memref<32x128xf32, #tpu.memory_space<vmem>>) dst(%dma_wait3A_187 : memref<32x128xf32, #tpu.memory_space<vmem_shared>>)
    %dma_wait3A_188 = arith.constant 0 : i32
    %dma_wait3A_189 = arith.constant 0 : i32
    %dma_wait3A_190 = tpu.memref_slice %arg6[%dma_wait3A_188, %dma_wait3A_189] : memref<10240x128xf32, #tpu.memory_space<vmem_shared>> -> memref<32x128xf32, #tpu.memory_space<vmem_shared>>
    %dma_wait3A_191 = arith.constant 0 : i32
    %dma_wait3A_192 = arith.constant 0 : i32
    %dma_wait3A_193 = tpu.memref_slice %arg6[%dma_wait3A_191, %dma_wait3A_192] : memref<10240x128xf32, #tpu.memory_space<vmem_shared>> -> memref<32x128xf32, #tpu.memory_space<vmem_shared>>
    tpu.wait_dma2 semaphore(%arg9 : memref<!tpu.dma_semaphore, #tpu.memory_space<semaphore_mem>>) src(%arg10 : memref<32x128xf32, #tpu.memory_space<vmem>>) dst(%dma_wait3A_193 : memref<32x128xf32, #tpu.memory_space<vmem_shared>>)
    %dma_wait3A_194 = arith.constant 0 : i32
    %dma_wait3A_195 = arith.constant 0 : i32
    %dma_wait3A_196 = tpu.memref_slice %arg6[%dma_wait3A_194, %dma_wait3A_195] : memref<10240x128xf32, #tpu.memory_space<vmem_shared>> -> memref<32x128xf32, #tpu.memory_space<vmem_shared>>
    %dma_wait3A_197 = arith.constant 0 : i32
    %dma_wait3A_198 = arith.constant 0 : i32
    %dma_wait3A_199 = tpu.memref_slice %arg6[%dma_wait3A_197, %dma_wait3A_198] : memref<10240x128xf32, #tpu.memory_space<vmem_shared>> -> memref<32x128xf32, #tpu.memory_space<vmem_shared>>
    tpu.wait_dma2 semaphore(%arg9 : memref<!tpu.dma_semaphore, #tpu.memory_space<semaphore_mem>>) src(%arg10 : memref<32x128xf32, #tpu.memory_space<vmem>>) dst(%dma_wait3A_199 : memref<32x128xf32, #tpu.memory_space<vmem_shared>>)
    %dma_wait3A_200 = arith.constant 0 : i32
    %dma_wait3A_201 = arith.constant 0 : i32
    %dma_wait3A_202 = tpu.memref_slice %arg6[%dma_wait3A_200, %dma_wait3A_201] : memref<10240x128xf32, #tpu.memory_space<vmem_shared>> -> memref<32x128xf32, #tpu.memory_space<vmem_shared>>
    %dma_wait3A_203 = arith.constant 0 : i32
    %dma_wait3A_204 = arith.constant 0 : i32
    %dma_wait3A_205 = tpu.memref_slice %arg6[%dma_wait3A_203, %dma_wait3A_204] : memref<10240x128xf32, #tpu.memory_space<vmem_shared>> -> memref<32x128xf32, #tpu.memory_space<vmem_shared>>
    tpu.wait_dma2 semaphore(%arg9 : memref<!tpu.dma_semaphore, #tpu.memory_space<semaphore_mem>>) src(%arg10 : memref<32x128xf32, #tpu.memory_space<vmem>>) dst(%dma_wait3A_205 : memref<32x128xf32, #tpu.memory_space<vmem_shared>>)
    %dma_wait3A_206 = arith.constant 0 : i32
    %dma_wait3A_207 = arith.constant 0 : i32
    %dma_wait3A_208 = tpu.memref_slice %arg6[%dma_wait3A_206, %dma_wait3A_207] : memref<10240x128xf32, #tpu.memory_space<vmem_shared>> -> memref<32x128xf32, #tpu.memory_space<vmem_shared>>
    %dma_wait3A_209 = arith.constant 0 : i32
    %dma_wait3A_210 = arith.constant 0 : i32
    %dma_wait3A_211 = tpu.memref_slice %arg6[%dma_wait3A_209, %dma_wait3A_210] : memref<10240x128xf32, #tpu.memory_space<vmem_shared>> -> memref<32x128xf32, #tpu.memory_space<vmem_shared>>
    tpu.wait_dma2 semaphore(%arg9 : memref<!tpu.dma_semaphore, #tpu.memory_space<semaphore_mem>>) src(%arg10 : memref<32x128xf32, #tpu.memory_space<vmem>>) dst(%dma_wait3A_211 : memref<32x128xf32, #tpu.memory_space<vmem_shared>>)
    %dma_wait3A_212 = arith.constant 0 : i32
    %dma_wait3A_213 = arith.constant 0 : i32
    %dma_wait3A_214 = tpu.memref_slice %arg6[%dma_wait3A_212, %dma_wait3A_213] : memref<10240x128xf32, #tpu.memory_space<vmem_shared>> -> memref<32x128xf32, #tpu.memory_space<vmem_shared>>
    %dma_wait3A_215 = arith.constant 0 : i32
    %dma_wait3A_216 = arith.constant 0 : i32
    %dma_wait3A_217 = tpu.memref_slice %arg6[%dma_wait3A_215, %dma_wait3A_216] : memref<10240x128xf32, #tpu.memory_space<vmem_shared>> -> memref<32x128xf32, #tpu.memory_space<vmem_shared>>
    tpu.wait_dma2 semaphore(%arg9 : memref<!tpu.dma_semaphore, #tpu.memory_space<semaphore_mem>>) src(%arg10 : memref<32x128xf32, #tpu.memory_space<vmem>>) dst(%dma_wait3A_217 : memref<32x128xf32, #tpu.memory_space<vmem_shared>>)
    %dma_wait3A_218 = arith.constant 0 : i32
    %dma_wait3A_219 = arith.constant 0 : i32
    %dma_wait3A_220 = tpu.memref_slice %arg6[%dma_wait3A_218, %dma_wait3A_219] : memref<10240x128xf32, #tpu.memory_space<vmem_shared>> -> memref<32x128xf32, #tpu.memory_space<vmem_shared>>
    %dma_wait3A_221 = arith.constant 0 : i32
    %dma_wait3A_222 = arith.constant 0 : i32
    %dma_wait3A_223 = tpu.memref_slice %arg6[%dma_wait3A_221, %dma_wait3A_222] : memref<10240x128xf32, #tpu.memory_space<vmem_shared>> -> memref<32x128xf32, #tpu.memory_space<vmem_shared>>
    tpu.wait_dma2 semaphore(%arg9 : memref<!tpu.dma_semaphore, #tpu.memory_space<semaphore_mem>>) src(%arg10 : memref<32x128xf32, #tpu.memory_space<vmem>>) dst(%dma_wait3A_223 : memref<32x128xf32, #tpu.memory_space<vmem_shared>>)
    %dma_wait3A_224 = arith.constant 0 : i32
    %dma_wait3A_225 = arith.constant 0 : i32
    %dma_wait3A_226 = tpu.memref_slice %arg6[%dma_wait3A_224, %dma_wait3A_225] : memref<10240x128xf32, #tpu.memory_space<vmem_shared>> -> memref<32x128xf32, #tpu.memory_space<vmem_shared>>
    %dma_wait3A_227 = arith.constant 0 : i32
    %dma_wait3A_228 = arith.constant 0 : i32
    %dma_wait3A_229 = tpu.memref_slice %arg6[%dma_wait3A_227, %dma_wait3A_228] : memref<10240x128xf32, #tpu.memory_space<vmem_shared>> -> memref<32x128xf32, #tpu.memory_space<vmem_shared>>
    tpu.wait_dma2 semaphore(%arg9 : memref<!tpu.dma_semaphore, #tpu.memory_space<semaphore_mem>>) src(%arg10 : memref<32x128xf32, #tpu.memory_space<vmem>>) dst(%dma_wait3A_229 : memref<32x128xf32, #tpu.memory_space<vmem_shared>>)
    %dma_wait3A_230 = arith.constant 0 : i32
    %dma_wait3A_231 = arith.constant 0 : i32
    %dma_wait3A_232 = tpu.memref_slice %arg6[%dma_wait3A_230, %dma_wait3A_231] : memref<10240x128xf32, #tpu.memory_space<vmem_shared>> -> memref<32x128xf32, #tpu.memory_space<vmem_shared>>
    %dma_wait3A_233 = arith.constant 0 : i32
    %dma_wait3A_234 = arith.constant 0 : i32
    %dma_wait3A_235 = tpu.memref_slice %arg6[%dma_wait3A_233, %dma_wait3A_234] : memref<10240x128xf32, #tpu.memory_space<vmem_shared>> -> memref<32x128xf32, #tpu.memory_space<vmem_shared>>
    tpu.wait_dma2 semaphore(%arg9 : memref<!tpu.dma_semaphore, #tpu.memory_space<semaphore_mem>>) src(%arg10 : memref<32x128xf32, #tpu.memory_space<vmem>>) dst(%dma_wait3A_235 : memref<32x128xf32, #tpu.memory_space<vmem_shared>>)
    %dma_wait3A_236 = arith.constant 0 : i32
    %dma_wait3A_237 = arith.constant 0 : i32
    %dma_wait3A_238 = tpu.memref_slice %arg6[%dma_wait3A_236, %dma_wait3A_237] : memref<10240x128xf32, #tpu.memory_space<vmem_shared>> -> memref<32x128xf32, #tpu.memory_space<vmem_shared>>
    %dma_wait3A_239 = arith.constant 0 : i32
    %dma_wait3A_240 = arith.constant 0 : i32
    %dma_wait3A_241 = tpu.memref_slice %arg6[%dma_wait3A_239, %dma_wait3A_240] : memref<10240x128xf32, #tpu.memory_space<vmem_shared>> -> memref<32x128xf32, #tpu.memory_space<vmem_shared>>
    tpu.wait_dma2 semaphore(%arg9 : memref<!tpu.dma_semaphore, #tpu.memory_space<semaphore_mem>>) src(%arg10 : memref<32x128xf32, #tpu.memory_space<vmem>>) dst(%dma_wait3A_241 : memref<32x128xf32, #tpu.memory_space<vmem_shared>>)
    %dma_wait3A_242 = arith.constant 0 : i32
    %dma_wait3A_243 = arith.constant 0 : i32
    %dma_wait3A_244 = tpu.memref_slice %arg6[%dma_wait3A_242, %dma_wait3A_243] : memref<10240x128xf32, #tpu.memory_space<vmem_shared>> -> memref<32x128xf32, #tpu.memory_space<vmem_shared>>
    %dma_wait3A_245 = arith.constant 0 : i32
    %dma_wait3A_246 = arith.constant 0 : i32
    %dma_wait3A_247 = tpu.memref_slice %arg6[%dma_wait3A_245, %dma_wait3A_246] : memref<10240x128xf32, #tpu.memory_space<vmem_shared>> -> memref<32x128xf32, #tpu.memory_space<vmem_shared>>
    tpu.wait_dma2 semaphore(%arg9 : memref<!tpu.dma_semaphore, #tpu.memory_space<semaphore_mem>>) src(%arg10 : memref<32x128xf32, #tpu.memory_space<vmem>>) dst(%dma_wait3A_247 : memref<32x128xf32, #tpu.memory_space<vmem_shared>>)
    %dma_wait3A_248 = arith.constant 0 : i32
    %dma_wait3A_249 = arith.constant 0 : i32
    %dma_wait3A_250 = tpu.memref_slice %arg6[%dma_wait3A_248, %dma_wait3A_249] : memref<10240x128xf32, #tpu.memory_space<vmem_shared>> -> memref<32x128xf32, #tpu.memory_space<vmem_shared>>
    %dma_wait3A_251 = arith.constant 0 : i32
    %dma_wait3A_252 = arith.constant 0 : i32
    %dma_wait3A_253 = tpu.memref_slice %arg6[%dma_wait3A_251, %dma_wait3A_252] : memref<10240x128xf32, #tpu.memory_space<vmem_shared>> -> memref<32x128xf32, #tpu.memory_space<vmem_shared>>
    tpu.wait_dma2 semaphore(%arg9 : memref<!tpu.dma_semaphore, #tpu.memory_space<semaphore_mem>>) src(%arg10 : memref<32x128xf32, #tpu.memory_space<vmem>>) dst(%dma_wait3A_253 : memref<32x128xf32, #tpu.memory_space<vmem_shared>>)
    %dma_wait3A_254 = arith.constant 0 : i32
    %dma_wait3A_255 = arith.constant 0 : i32
    %dma_wait3A_256 = tpu.memref_slice %arg6[%dma_wait3A_254, %dma_wait3A_255] : memref<10240x128xf32, #tpu.memory_space<vmem_shared>> -> memref<32x128xf32, #tpu.memory_space<vmem_shared>>
    %dma_wait3A_257 = arith.constant 0 : i32
    %dma_wait3A_258 = arith.constant 0 : i32
    %dma_wait3A_259 = tpu.memref_slice %arg6[%dma_wait3A_257, %dma_wait3A_258] : memref<10240x128xf32, #tpu.memory_space<vmem_shared>> -> memref<32x128xf32, #tpu.memory_space<vmem_shared>>
    tpu.wait_dma2 semaphore(%arg9 : memref<!tpu.dma_semaphore, #tpu.memory_space<semaphore_mem>>) src(%arg10 : memref<32x128xf32, #tpu.memory_space<vmem>>) dst(%dma_wait3A_259 : memref<32x128xf32, #tpu.memory_space<vmem_shared>>)
    %dma_wait3A_260 = arith.constant 0 : i32
    %dma_wait3A_261 = arith.constant 0 : i32
    %dma_wait3A_262 = tpu.memref_slice %arg6[%dma_wait3A_260, %dma_wait3A_261] : memref<10240x128xf32, #tpu.memory_space<vmem_shared>> -> memref<32x128xf32, #tpu.memory_space<vmem_shared>>
    %dma_wait3A_263 = arith.constant 0 : i32
    %dma_wait3A_264 = arith.constant 0 : i32
    %dma_wait3A_265 = tpu.memref_slice %arg6[%dma_wait3A_263, %dma_wait3A_264] : memref<10240x128xf32, #tpu.memory_space<vmem_shared>> -> memref<32x128xf32, #tpu.memory_space<vmem_shared>>
    tpu.wait_dma2 semaphore(%arg9 : memref<!tpu.dma_semaphore, #tpu.memory_space<semaphore_mem>>) src(%arg10 : memref<32x128xf32, #tpu.memory_space<vmem>>) dst(%dma_wait3A_265 : memref<32x128xf32, #tpu.memory_space<vmem_shared>>)
    %dma_wait3A_266 = arith.constant 0 : i32
    %dma_wait3A_267 = arith.constant 0 : i32
    %dma_wait3A_268 = tpu.memref_slice %arg6[%dma_wait3A_266, %dma_wait3A_267] : memref<10240x128xf32, #tpu.memory_space<vmem_shared>> -> memref<32x128xf32, #tpu.memory_space<vmem_shared>>
    %dma_wait3A_269 = arith.constant 0 : i32
    %dma_wait3A_270 = arith.constant 0 : i32
    %dma_wait3A_271 = tpu.memref_slice %arg6[%dma_wait3A_269, %dma_wait3A_270] : memref<10240x128xf32, #tpu.memory_space<vmem_shared>> -> memref<32x128xf32, #tpu.memory_space<vmem_shared>>
    tpu.wait_dma2 semaphore(%arg9 : memref<!tpu.dma_semaphore, #tpu.memory_space<semaphore_mem>>) src(%arg10 : memref<32x128xf32, #tpu.memory_space<vmem>>) dst(%dma_wait3A_271 : memref<32x128xf32, #tpu.memory_space<vmem_shared>>)
    %dma_wait3A_272 = arith.constant 0 : i32
    %dma_wait3A_273 = arith.constant 0 : i32
    %dma_wait3A_274 = tpu.memref_slice %arg6[%dma_wait3A_272, %dma_wait3A_273] : memref<10240x128xf32, #tpu.memory_space<vmem_shared>> -> memref<32x128xf32, #tpu.memory_space<vmem_shared>>
    %dma_wait3A_275 = arith.constant 0 : i32
    %dma_wait3A_276 = arith.constant 0 : i32
    %dma_wait3A_277 = tpu.memref_slice %arg6[%dma_wait3A_275, %dma_wait3A_276] : memref<10240x128xf32, #tpu.memory_space<vmem_shared>> -> memref<32x128xf32, #tpu.memory_space<vmem_shared>>
    tpu.wait_dma2 semaphore(%arg9 : memref<!tpu.dma_semaphore, #tpu.memory_space<semaphore_mem>>) src(%arg10 : memref<32x128xf32, #tpu.memory_space<vmem>>) dst(%dma_wait3A_277 : memref<32x128xf32, #tpu.memory_space<vmem_shared>>)
    %dma_wait3A_278 = arith.constant 0 : i32
    %dma_wait3A_279 = arith.constant 0 : i32
    %dma_wait3A_280 = tpu.memref_slice %arg6[%dma_wait3A_278, %dma_wait3A_279] : memref<10240x128xf32, #tpu.memory_space<vmem_shared>> -> memref<32x128xf32, #tpu.memory_space<vmem_shared>>
    %dma_wait3A_281 = arith.constant 0 : i32
    %dma_wait3A_282 = arith.constant 0 : i32
    %dma_wait3A_283 = tpu.memref_slice %arg6[%dma_wait3A_281, %dma_wait3A_282] : memref<10240x128xf32, #tpu.memory_space<vmem_shared>> -> memref<32x128xf32, #tpu.memory_space<vmem_shared>>
    tpu.wait_dma2 semaphore(%arg9 : memref<!tpu.dma_semaphore, #tpu.memory_space<semaphore_mem>>) src(%arg10 : memref<32x128xf32, #tpu.memory_space<vmem>>) dst(%dma_wait3A_283 : memref<32x128xf32, #tpu.memory_space<vmem_shared>>)
    %barrier3A = arith.constant 0 : index
    tpu.barrier barrier_id(%barrier3A)
    %mul3A_284 = arith.constant 320 : i32
    %mul3A_285 = arith.muli %add3A, %mul3A_284 : i32
    %add3A_286 = arith.constant 0 : i32
    %add3A_287 = arith.addi %mul3A_285, %add3A_286 : i32
    %mul3A_288 = arith.constant 32 : i32
    %mul3A_289 = arith.muli %add3A_287, %mul3A_288 : i32
    %dma_start3A_290 = tpu.memref_slice %arg3[%mul3A_289] : memref<327680xi32, #tpu.memory_space<hbm>> -> memref<5120xi32, #tpu.memory_space<hbm>>
    %dma_start3A_291 = tpu.memref_slice %arg3[%mul3A_289] : memref<327680xi32, #tpu.memory_space<hbm>> -> memref<5120xi32, #tpu.memory_space<hbm>>
    tpu.enqueue_dma source(%dma_start3A_291 : memref<5120xi32, #tpu.memory_space<hbm>>) target(%arg7 : memref<5120xi32, #tpu.memory_space<vmem>>) target_semaphore(%arg9 : memref<!tpu.dma_semaphore, #tpu.memory_space<semaphore_mem>>)
    %mul3A_292 = arith.constant 320 : i32
    %mul3A_293 = arith.muli %add3A, %mul3A_292 : i32
    %add3A_294 = arith.constant 0 : i32
    %add3A_295 = arith.addi %mul3A_293, %add3A_294 : i32
    %dma_start3A_296 = arith.constant 0 : i32
    %dma_start3A_297 = tpu.memref_slice %arg4[%add3A_295, %dma_start3A_296] : memref<10240x32xi32, #tpu.memory_space<hbm>> -> memref<160x32xi32, #tpu.memory_space<hbm>>
    %dma_start3A_298 = arith.constant 0 : i32
    %dma_start3A_299 = tpu.memref_slice %arg4[%add3A_295, %dma_start3A_298] : memref<10240x32xi32, #tpu.memory_space<hbm>> -> memref<160x32xi32, #tpu.memory_space<hbm>>
    tpu.enqueue_dma source(%dma_start3A_299 : memref<160x32xi32, #tpu.memory_space<hbm>>) target(%arg8 : memref<160x32xi32, #tpu.memory_space<vmem>>) target_semaphore(%arg9 : memref<!tpu.dma_semaphore, #tpu.memory_space<semaphore_mem>>)
    %dma_wait3A_300 = arith.constant 0 : i32
    %dma_wait3A_301 = tpu.memref_slice %arg3[%dma_wait3A_300] : memref<327680xi32, #tpu.memory_space<hbm>> -> memref<5120xi32, #tpu.memory_space<hbm>>
    %dma_wait3A_302 = arith.constant 0 : i32
    %dma_wait3A_303 = tpu.memref_slice %arg3[%dma_wait3A_302] : memref<327680xi32, #tpu.memory_space<hbm>> -> memref<5120xi32, #tpu.memory_space<hbm>>
    tpu.wait_dma2 semaphore(%arg9 : memref<!tpu.dma_semaphore, #tpu.memory_space<semaphore_mem>>) src(%dma_wait3A_303 : memref<5120xi32, #tpu.memory_space<hbm>>) dst(%arg7 : memref<5120xi32, #tpu.memory_space<vmem>>)
    %dma_wait3A_304 = arith.constant 0 : i32
    %dma_wait3A_305 = arith.constant 0 : i32
    %dma_wait3A_306 = tpu.memref_slice %arg4[%dma_wait3A_304, %dma_wait3A_305] : memref<10240x32xi32, #tpu.memory_space<hbm>> -> memref<160x32xi32, #tpu.memory_space<hbm>>
    %dma_wait3A_307 = arith.constant 0 : i32
    %dma_wait3A_308 = arith.constant 0 : i32
    %dma_wait3A_309 = tpu.memref_slice %arg4[%dma_wait3A_307, %dma_wait3A_308] : memref<10240x32xi32, #tpu.memory_space<hbm>> -> memref<160x32xi32, #tpu.memory_space<hbm>>
    tpu.wait_dma2 semaphore(%arg9 : memref<!tpu.dma_semaphore, #tpu.memory_space<semaphore_mem>>) src(%dma_wait3A_309 : memref<160x32xi32, #tpu.memory_space<hbm>>) dst(%arg8 : memref<160x32xi32, #tpu.memory_space<vmem>>)
    %dma_start3A_310 = arith.constant 0 : i32
    %dma_start3A_311 = tpu.memref_slice %arg7[%dma_start3A_310] : memref<5120xi32, #tpu.memory_space<vmem>> -> memref<32xi32, #tpu.memory_space<vmem>>
    %dma_start3A_312 = arith.constant 0 : i32
    %dma_start3A_313 = arith.constant 0 : i32
    %dma_start3A_314 = tpu.memref_slice %arg2[%dma_start3A_312, %dma_start3A_313] : memref<10000x128xf32, #tpu.memory_space<hbm>> -> memref<10000x128xf32, #tpu.memory_space<hbm>>
    tpu.enqueue_indirect_dma source(%dma_start3A_314 : memref<10000x128xf32, #tpu.memory_space<hbm>>) target(%arg10 : memref<32x128xf32, #tpu.memory_space<vmem>>) offsets(%dma_start3A_311 : memref<32xi32, #tpu.memory_space<vmem>>) semaphore(%arg14 : memref<!tpu.dma_semaphore, #tpu.memory_space<semaphore_mem>>)
    %dma_start3A_315 = arith.constant 32 : i32
    %dma_start3A_316 = tpu.memref_slice %arg7[%dma_start3A_315] : memref<5120xi32, #tpu.memory_space<vmem>> -> memref<32xi32, #tpu.memory_space<vmem>>
    %dma_start3A_317 = arith.constant 0 : i32
    %dma_start3A_318 = arith.constant 0 : i32
    %dma_start3A_319 = tpu.memref_slice %arg2[%dma_start3A_317, %dma_start3A_318] : memref<10000x128xf32, #tpu.memory_space<hbm>> -> memref<10000x128xf32, #tpu.memory_space<hbm>>
    tpu.enqueue_indirect_dma source(%dma_start3A_319 : memref<10000x128xf32, #tpu.memory_space<hbm>>) target(%arg11 : memref<32x128xf32, #tpu.memory_space<vmem>>) offsets(%dma_start3A_316 : memref<32xi32, #tpu.memory_space<vmem>>) semaphore(%arg15 : memref<!tpu.dma_semaphore, #tpu.memory_space<semaphore_mem>>)
    %dma_start3A_320 = arith.constant 64 : i32
    %dma_start3A_321 = tpu.memref_slice %arg7[%dma_start3A_320] : memref<5120xi32, #tpu.memory_space<vmem>> -> memref<32xi32, #tpu.memory_space<vmem>>
    %dma_start3A_322 = arith.constant 0 : i32
    %dma_start3A_323 = arith.constant 0 : i32
    %dma_start3A_324 = tpu.memref_slice %arg2[%dma_start3A_322, %dma_start3A_323] : memref<10000x128xf32, #tpu.memory_space<hbm>> -> memref<10000x128xf32, #tpu.memory_space<hbm>>
    tpu.enqueue_indirect_dma source(%dma_start3A_324 : memref<10000x128xf32, #tpu.memory_space<hbm>>) target(%arg12 : memref<32x128xf32, #tpu.memory_space<vmem>>) offsets(%dma_start3A_321 : memref<32xi32, #tpu.memory_space<vmem>>) semaphore(%arg16 : memref<!tpu.dma_semaphore, #tpu.memory_space<semaphore_mem>>)
    %scan3A_325 = arith.constant 0 : i32
    %scan3A_326 = arith.constant 0 : i32
    %scan3A_327 = arith.constant 40 : i32
    %scan3A_328 = arith.addi %scan3A_326, %scan3A_327 : i32
    %scan3A_329 = arith.constant 1 : i32
    scf.for %scan3A_439 = %scan3A_326 to %scan3A_328 step %scan3A_329  : i32 {
      %mul3A_440 = arith.constant 4 : i32
      %mul3A_441 = arith.muli %scan3A_439, %mul3A_440 : i32
      %add3A_442 = arith.constant 0 : i32
      %add3A_443 = arith.addi %mul3A_441, %add3A_442 : i32
      %dma_wait3A_444 = arith.constant 0 : i32
      %dma_wait3A_445 = tpu.memref_slice %arg7[%dma_wait3A_444] : memref<5120xi32, #tpu.memory_space<vmem>> -> memref<32xi32, #tpu.memory_space<vmem>>
      %dma_wait3A_446 = arith.constant 0 : i32
      %dma_wait3A_447 = arith.constant 0 : i32
      %dma_wait3A_448 = tpu.memref_slice %arg2[%dma_wait3A_446, %dma_wait3A_447] : memref<10000x128xf32, #tpu.memory_space<hbm>> -> memref<10000x128xf32, #tpu.memory_space<hbm>>
      tpu.wait_indirect_dma semaphore(%arg14 : memref<!tpu.dma_semaphore, #tpu.memory_space<semaphore_mem>>) src(%dma_wait3A_448 : memref<10000x128xf32, #tpu.memory_space<hbm>>) dst(%arg10 : memref<32x128xf32, #tpu.memory_space<vmem>>)
      %dma_start3A_449 = arith.constant 0 : i32
      %dma_start3A_450 = tpu.memref_slice %arg8[%add3A_443, %dma_start3A_449] : memref<160x32xi32, #tpu.memory_space<vmem>> -> memref<1x32xi32, #tpu.memory_space<vmem>>
      %dma_start3A_451 = tpu.memref_squeeze %dma_start3A_450 : memref<1x32xi32, #tpu.memory_space<vmem>> -> memref<32xi32, #tpu.memory_space<vmem>>
      %dma_start3A_452 = arith.constant 0 : i32
      %dma_start3A_453 = arith.constant 0 : i32
      %dma_start3A_454 = tpu.memref_slice %arg6[%dma_start3A_452, %dma_start3A_453] : memref<10240x128xf32, #tpu.memory_space<vmem_shared>> -> memref<10240x128xf32, #tpu.memory_space<vmem_shared>>
      tpu.enqueue_indirect_dma source(%arg10 : memref<32x128xf32, #tpu.memory_space<vmem>>) target(%dma_start3A_454 : memref<10240x128xf32, #tpu.memory_space<vmem_shared>>) offsets(%dma_start3A_451 : memref<32xi32, #tpu.memory_space<vmem>>) semaphore(%arg18 : memref<!tpu.dma_semaphore, #tpu.memory_space<semaphore_mem>>) {add = true}
      %add3A_455 = arith.constant 4 : i32
      %add3A_456 = arith.addi %add3A_443, %add3A_455 : i32
      %sub3A = arith.constant 1 : i32
      %sub3A_457 = arith.subi %add3A_456, %sub3A : i32
      %lt3A = arith.constant 160 : i32
      %lt3A_458 = arith.cmpi slt, %sub3A_457, %lt3A : i32
      %convert_element_type3A = arith.extui %lt3A_458 : i1 to i32
      %cond3A = arith.constant 0 : i32
      %cond3A_459 = arith.cmpi ne, %convert_element_type3A, %cond3A : i32
      scf.if %cond3A_459 {
        %ge3A = arith.constant 1 : i32
        %ge3A_532 = arith.cmpi sge, %add3A_443, %ge3A : i32
        %convert_element_type3A_533 = arith.extui %ge3A_532 : i1 to i32
        %cond3A_534 = arith.constant 0 : i32
        %cond3A_535 = arith.cmpi ne, %convert_element_type3A_533, %cond3A_534 : i32
        scf.if %cond3A_535 {
          %dma_wait3A_542 = arith.constant 0 : i32
          %dma_wait3A_543 = arith.constant 0 : i32
          %dma_wait3A_544 = tpu.memref_slice %arg8[%dma_wait3A_542, %dma_wait3A_543] : memref<160x32xi32, #tpu.memory_space<vmem>> -> memref<1x32xi32, #tpu.memory_space<vmem>>
          %dma_wait3A_545 = tpu.memref_squeeze %dma_wait3A_544 : memref<1x32xi32, #tpu.memory_space<vmem>> -> memref<32xi32, #tpu.memory_space<vmem>>
          %dma_wait3A_546 = arith.constant 0 : i32
          %dma_wait3A_547 = arith.constant 0 : i32
          %dma_wait3A_548 = tpu.memref_slice %arg6[%dma_wait3A_546, %dma_wait3A_547] : memref<10240x128xf32, #tpu.memory_space<vmem_shared>> -> memref<10240x128xf32, #tpu.memory_space<vmem_shared>>
          tpu.wait_indirect_dma semaphore(%arg21 : memref<!tpu.dma_semaphore, #tpu.memory_space<semaphore_mem>>) src(%arg13 : memref<32x128xf32, #tpu.memory_space<vmem>>) dst(%dma_wait3A_548 : memref<10240x128xf32, #tpu.memory_space<vmem_shared>>)
        } else {
        }
        %mul3A_536 = arith.constant 32 : i32
        %mul3A_537 = arith.muli %sub3A_457, %mul3A_536 : i32
        %dma_start3A_538 = tpu.memref_slice %arg7[%mul3A_537] : memref<5120xi32, #tpu.memory_space<vmem>> -> memref<32xi32, #tpu.memory_space<vmem>>
        %dma_start3A_539 = arith.constant 0 : i32
        %dma_start3A_540 = arith.constant 0 : i32
        %dma_start3A_541 = tpu.memref_slice %arg2[%dma_start3A_539, %dma_start3A_540] : memref<10000x128xf32, #tpu.memory_space<hbm>> -> memref<10000x128xf32, #tpu.memory_space<hbm>>
        tpu.enqueue_indirect_dma source(%dma_start3A_541 : memref<10000x128xf32, #tpu.memory_space<hbm>>) target(%arg13 : memref<32x128xf32, #tpu.memory_space<vmem>>) offsets(%dma_start3A_538 : memref<32xi32, #tpu.memory_space<vmem>>) semaphore(%arg17 : memref<!tpu.dma_semaphore, #tpu.memory_space<semaphore_mem>>)
      } else {
      }
      %mul3A_460 = arith.constant 4 : i32
      %mul3A_461 = arith.muli %scan3A_439, %mul3A_460 : i32
      %add3A_462 = arith.constant 1 : i32
      %add3A_463 = arith.addi %mul3A_461, %add3A_462 : i32
      %dma_wait3A_464 = arith.constant 0 : i32
      %dma_wait3A_465 = tpu.memref_slice %arg7[%dma_wait3A_464] : memref<5120xi32, #tpu.memory_space<vmem>> -> memref<32xi32, #tpu.memory_space<vmem>>
      %dma_wait3A_466 = arith.constant 0 : i32
      %dma_wait3A_467 = arith.constant 0 : i32
      %dma_wait3A_468 = tpu.memref_slice %arg2[%dma_wait3A_466, %dma_wait3A_467] : memref<10000x128xf32, #tpu.memory_space<hbm>> -> memref<10000x128xf32, #tpu.memory_space<hbm>>
      tpu.wait_indirect_dma semaphore(%arg15 : memref<!tpu.dma_semaphore, #tpu.memory_space<semaphore_mem>>) src(%dma_wait3A_468 : memref<10000x128xf32, #tpu.memory_space<hbm>>) dst(%arg11 : memref<32x128xf32, #tpu.memory_space<vmem>>)
      %dma_start3A_469 = arith.constant 0 : i32
      %dma_start3A_470 = tpu.memref_slice %arg8[%add3A_463, %dma_start3A_469] : memref<160x32xi32, #tpu.memory_space<vmem>> -> memref<1x32xi32, #tpu.memory_space<vmem>>
      %dma_start3A_471 = tpu.memref_squeeze %dma_start3A_470 : memref<1x32xi32, #tpu.memory_space<vmem>> -> memref<32xi32, #tpu.memory_space<vmem>>
      %dma_start3A_472 = arith.constant 0 : i32
      %dma_start3A_473 = arith.constant 0 : i32
      %dma_start3A_474 = tpu.memref_slice %arg6[%dma_start3A_472, %dma_start3A_473] : memref<10240x128xf32, #tpu.memory_space<vmem_shared>> -> memref<10240x128xf32, #tpu.memory_space<vmem_shared>>
      tpu.enqueue_indirect_dma source(%arg11 : memref<32x128xf32, #tpu.memory_space<vmem>>) target(%dma_start3A_474 : memref<10240x128xf32, #tpu.memory_space<vmem_shared>>) offsets(%dma_start3A_471 : memref<32xi32, #tpu.memory_space<vmem>>) semaphore(%arg19 : memref<!tpu.dma_semaphore, #tpu.memory_space<semaphore_mem>>) {add = true}
      %add3A_475 = arith.constant 4 : i32
      %add3A_476 = arith.addi %add3A_463, %add3A_475 : i32
      %sub3A_477 = arith.constant 1 : i32
      %sub3A_478 = arith.subi %add3A_476, %sub3A_477 : i32
      %lt3A_479 = arith.constant 160 : i32
      %lt3A_480 = arith.cmpi slt, %sub3A_478, %lt3A_479 : i32
      %convert_element_type3A_481 = arith.extui %lt3A_480 : i1 to i32
      %cond3A_482 = arith.constant 0 : i32
      %cond3A_483 = arith.cmpi ne, %convert_element_type3A_481, %cond3A_482 : i32
      scf.if %cond3A_483 {
        %ge3A = arith.constant 1 : i32
        %ge3A_532 = arith.cmpi sge, %add3A_463, %ge3A : i32
        %convert_element_type3A_533 = arith.extui %ge3A_532 : i1 to i32
        %cond3A_534 = arith.constant 0 : i32
        %cond3A_535 = arith.cmpi ne, %convert_element_type3A_533, %cond3A_534 : i32
        scf.if %cond3A_535 {
          %dma_wait3A_542 = arith.constant 0 : i32
          %dma_wait3A_543 = arith.constant 0 : i32
          %dma_wait3A_544 = tpu.memref_slice %arg8[%dma_wait3A_542, %dma_wait3A_543] : memref<160x32xi32, #tpu.memory_space<vmem>> -> memref<1x32xi32, #tpu.memory_space<vmem>>
          %dma_wait3A_545 = tpu.memref_squeeze %dma_wait3A_544 : memref<1x32xi32, #tpu.memory_space<vmem>> -> memref<32xi32, #tpu.memory_space<vmem>>
          %dma_wait3A_546 = arith.constant 0 : i32
          %dma_wait3A_547 = arith.constant 0 : i32
          %dma_wait3A_548 = tpu.memref_slice %arg6[%dma_wait3A_546, %dma_wait3A_547] : memref<10240x128xf32, #tpu.memory_space<vmem_shared>> -> memref<10240x128xf32, #tpu.memory_space<vmem_shared>>
          tpu.wait_indirect_dma semaphore(%arg18 : memref<!tpu.dma_semaphore, #tpu.memory_space<semaphore_mem>>) src(%arg10 : memref<32x128xf32, #tpu.memory_space<vmem>>) dst(%dma_wait3A_548 : memref<10240x128xf32, #tpu.memory_space<vmem_shared>>)
        } else {
        }
        %mul3A_536 = arith.constant 32 : i32
        %mul3A_537 = arith.muli %sub3A_478, %mul3A_536 : i32
        %dma_start3A_538 = tpu.memref_slice %arg7[%mul3A_537] : memref<5120xi32, #tpu.memory_space<vmem>> -> memref<32xi32, #tpu.memory_space<vmem>>
        %dma_start3A_539 = arith.constant 0 : i32
        %dma_start3A_540 = arith.constant 0 : i32
        %dma_start3A_541 = tpu.memref_slice %arg2[%dma_start3A_539, %dma_start3A_540] : memref<10000x128xf32, #tpu.memory_space<hbm>> -> memref<10000x128xf32, #tpu.memory_space<hbm>>
        tpu.enqueue_indirect_dma source(%dma_start3A_541 : memref<10000x128xf32, #tpu.memory_space<hbm>>) target(%arg10 : memref<32x128xf32, #tpu.memory_space<vmem>>) offsets(%dma_start3A_538 : memref<32xi32, #tpu.memory_space<vmem>>) semaphore(%arg14 : memref<!tpu.dma_semaphore, #tpu.memory_space<semaphore_mem>>)
      } else {
      }
      %mul3A_484 = arith.constant 4 : i32
      %mul3A_485 = arith.muli %scan3A_439, %mul3A_484 : i32
      %add3A_486 = arith.constant 2 : i32
      %add3A_487 = arith.addi %mul3A_485, %add3A_486 : i32
      %dma_wait3A_488 = arith.constant 0 : i32
      %dma_wait3A_489 = tpu.memref_slice %arg7[%dma_wait3A_488] : memref<5120xi32, #tpu.memory_space<vmem>> -> memref<32xi32, #tpu.memory_space<vmem>>
      %dma_wait3A_490 = arith.constant 0 : i32
      %dma_wait3A_491 = arith.constant 0 : i32
      %dma_wait3A_492 = tpu.memref_slice %arg2[%dma_wait3A_490, %dma_wait3A_491] : memref<10000x128xf32, #tpu.memory_space<hbm>> -> memref<10000x128xf32, #tpu.memory_space<hbm>>
      tpu.wait_indirect_dma semaphore(%arg16 : memref<!tpu.dma_semaphore, #tpu.memory_space<semaphore_mem>>) src(%dma_wait3A_492 : memref<10000x128xf32, #tpu.memory_space<hbm>>) dst(%arg12 : memref<32x128xf32, #tpu.memory_space<vmem>>)
      %dma_start3A_493 = arith.constant 0 : i32
      %dma_start3A_494 = tpu.memref_slice %arg8[%add3A_487, %dma_start3A_493] : memref<160x32xi32, #tpu.memory_space<vmem>> -> memref<1x32xi32, #tpu.memory_space<vmem>>
      %dma_start3A_495 = tpu.memref_squeeze %dma_start3A_494 : memref<1x32xi32, #tpu.memory_space<vmem>> -> memref<32xi32, #tpu.memory_space<vmem>>
      %dma_start3A_496 = arith.constant 0 : i32
      %dma_start3A_497 = arith.constant 0 : i32
      %dma_start3A_498 = tpu.memref_slice %arg6[%dma_start3A_496, %dma_start3A_497] : memref<10240x128xf32, #tpu.memory_space<vmem_shared>> -> memref<10240x128xf32, #tpu.memory_space<vmem_shared>>
      tpu.enqueue_indirect_dma source(%arg12 : memref<32x128xf32, #tpu.memory_space<vmem>>) target(%dma_start3A_498 : memref<10240x128xf32, #tpu.memory_space<vmem_shared>>) offsets(%dma_start3A_495 : memref<32xi32, #tpu.memory_space<vmem>>) semaphore(%arg20 : memref<!tpu.dma_semaphore, #tpu.memory_space<semaphore_mem>>) {add = true}
      %add3A_499 = arith.constant 4 : i32
      %add3A_500 = arith.addi %add3A_487, %add3A_499 : i32
      %sub3A_501 = arith.constant 1 : i32
      %sub3A_502 = arith.subi %add3A_500, %sub3A_501 : i32
      %lt3A_503 = arith.constant 160 : i32
      %lt3A_504 = arith.cmpi slt, %sub3A_502, %lt3A_503 : i32
      %convert_element_type3A_505 = arith.extui %lt3A_504 : i1 to i32
      %cond3A_506 = arith.constant 0 : i32
      %cond3A_507 = arith.cmpi ne, %convert_element_type3A_505, %cond3A_506 : i32
      scf.if %cond3A_507 {
        %ge3A = arith.constant 1 : i32
        %ge3A_532 = arith.cmpi sge, %add3A_487, %ge3A : i32
        %convert_element_type3A_533 = arith.extui %ge3A_532 : i1 to i32
        %cond3A_534 = arith.constant 0 : i32
        %cond3A_535 = arith.cmpi ne, %convert_element_type3A_533, %cond3A_534 : i32
        scf.if %cond3A_535 {
          %dma_wait3A_542 = arith.constant 0 : i32
          %dma_wait3A_543 = arith.constant 0 : i32
          %dma_wait3A_544 = tpu.memref_slice %arg8[%dma_wait3A_542, %dma_wait3A_543] : memref<160x32xi32, #tpu.memory_space<vmem>> -> memref<1x32xi32, #tpu.memory_space<vmem>>
          %dma_wait3A_545 = tpu.memref_squeeze %dma_wait3A_544 : memref<1x32xi32, #tpu.memory_space<vmem>> -> memref<32xi32, #tpu.memory_space<vmem>>
          %dma_wait3A_546 = arith.constant 0 : i32
          %dma_wait3A_547 = arith.constant 0 : i32
          %dma_wait3A_548 = tpu.memref_slice %arg6[%dma_wait3A_546, %dma_wait3A_547] : memref<10240x128xf32, #tpu.memory_space<vmem_shared>> -> memref<10240x128xf32, #tpu.memory_space<vmem_shared>>
          tpu.wait_indirect_dma semaphore(%arg19 : memref<!tpu.dma_semaphore, #tpu.memory_space<semaphore_mem>>) src(%arg11 : memref<32x128xf32, #tpu.memory_space<vmem>>) dst(%dma_wait3A_548 : memref<10240x128xf32, #tpu.memory_space<vmem_shared>>)
        } else {
        }
        %mul3A_536 = arith.constant 32 : i32
        %mul3A_537 = arith.muli %sub3A_502, %mul3A_536 : i32
        %dma_start3A_538 = tpu.memref_slice %arg7[%mul3A_537] : memref<5120xi32, #tpu.memory_space<vmem>> -> memref<32xi32, #tpu.memory_space<vmem>>
        %dma_start3A_539 = arith.constant 0 : i32
        %dma_start3A_540 = arith.constant 0 : i32
        %dma_start3A_541 = tpu.memref_slice %arg2[%dma_start3A_539, %dma_start3A_540] : memref<10000x128xf32, #tpu.memory_space<hbm>> -> memref<10000x128xf32, #tpu.memory_space<hbm>>
        tpu.enqueue_indirect_dma source(%dma_start3A_541 : memref<10000x128xf32, #tpu.memory_space<hbm>>) target(%arg11 : memref<32x128xf32, #tpu.memory_space<vmem>>) offsets(%dma_start3A_538 : memref<32xi32, #tpu.memory_space<vmem>>) semaphore(%arg15 : memref<!tpu.dma_semaphore, #tpu.memory_space<semaphore_mem>>)
      } else {
      }
      %mul3A_508 = arith.constant 4 : i32
      %mul3A_509 = arith.muli %scan3A_439, %mul3A_508 : i32
      %add3A_510 = arith.constant 3 : i32
      %add3A_511 = arith.addi %mul3A_509, %add3A_510 : i32
      %dma_wait3A_512 = arith.constant 0 : i32
      %dma_wait3A_513 = tpu.memref_slice %arg7[%dma_wait3A_512] : memref<5120xi32, #tpu.memory_space<vmem>> -> memref<32xi32, #tpu.memory_space<vmem>>
      %dma_wait3A_514 = arith.constant 0 : i32
      %dma_wait3A_515 = arith.constant 0 : i32
      %dma_wait3A_516 = tpu.memref_slice %arg2[%dma_wait3A_514, %dma_wait3A_515] : memref<10000x128xf32, #tpu.memory_space<hbm>> -> memref<10000x128xf32, #tpu.memory_space<hbm>>
      tpu.wait_indirect_dma semaphore(%arg17 : memref<!tpu.dma_semaphore, #tpu.memory_space<semaphore_mem>>) src(%dma_wait3A_516 : memref<10000x128xf32, #tpu.memory_space<hbm>>) dst(%arg13 : memref<32x128xf32, #tpu.memory_space<vmem>>)
      %dma_start3A_517 = arith.constant 0 : i32
      %dma_start3A_518 = tpu.memref_slice %arg8[%add3A_511, %dma_start3A_517] : memref<160x32xi32, #tpu.memory_space<vmem>> -> memref<1x32xi32, #tpu.memory_space<vmem>>
      %dma_start3A_519 = tpu.memref_squeeze %dma_start3A_518 : memref<1x32xi32, #tpu.memory_space<vmem>> -> memref<32xi32, #tpu.memory_space<vmem>>
      %dma_start3A_520 = arith.constant 0 : i32
      %dma_start3A_521 = arith.constant 0 : i32
      %dma_start3A_522 = tpu.memref_slice %arg6[%dma_start3A_520, %dma_start3A_521] : memref<10240x128xf32, #tpu.memory_space<vmem_shared>> -> memref<10240x128xf32, #tpu.memory_space<vmem_shared>>
      tpu.enqueue_indirect_dma source(%arg13 : memref<32x128xf32, #tpu.memory_space<vmem>>) target(%dma_start3A_522 : memref<10240x128xf32, #tpu.memory_space<vmem_shared>>) offsets(%dma_start3A_519 : memref<32xi32, #tpu.memory_space<vmem>>) semaphore(%arg21 : memref<!tpu.dma_semaphore, #tpu.memory_space<semaphore_mem>>) {add = true}
      %add3A_523 = arith.constant 4 : i32
      %add3A_524 = arith.addi %add3A_511, %add3A_523 : i32
      %sub3A_525 = arith.constant 1 : i32
      %sub3A_526 = arith.subi %add3A_524, %sub3A_525 : i32
      %lt3A_527 = arith.constant 160 : i32
      %lt3A_528 = arith.cmpi slt, %sub3A_526, %lt3A_527 : i32
      %convert_element_type3A_529 = arith.extui %lt3A_528 : i1 to i32
      %cond3A_530 = arith.constant 0 : i32
      %cond3A_531 = arith.cmpi ne, %convert_element_type3A_529, %cond3A_530 : i32
      scf.if %cond3A_531 {
        %ge3A = arith.constant 1 : i32
        %ge3A_532 = arith.cmpi sge, %add3A_511, %ge3A : i32
        %convert_element_type3A_533 = arith.extui %ge3A_532 : i1 to i32
        %cond3A_534 = arith.constant 0 : i32
        %cond3A_535 = arith.cmpi ne, %convert_element_type3A_533, %cond3A_534 : i32
        scf.if %cond3A_535 {
          %dma_wait3A_542 = arith.constant 0 : i32
          %dma_wait3A_543 = arith.constant 0 : i32
          %dma_wait3A_544 = tpu.memref_slice %arg8[%dma_wait3A_542, %dma_wait3A_543] : memref<160x32xi32, #tpu.memory_space<vmem>> -> memref<1x32xi32, #tpu.memory_space<vmem>>
          %dma_wait3A_545 = tpu.memref_squeeze %dma_wait3A_544 : memref<1x32xi32, #tpu.memory_space<vmem>> -> memref<32xi32, #tpu.memory_space<vmem>>
          %dma_wait3A_546 = arith.constant 0 : i32
          %dma_wait3A_547 = arith.constant 0 : i32
          %dma_wait3A_548 = tpu.memref_slice %arg6[%dma_wait3A_546, %dma_wait3A_547] : memref<10240x128xf32, #tpu.memory_space<vmem_shared>> -> memref<10240x128xf32, #tpu.memory_space<vmem_shared>>
          tpu.wait_indirect_dma semaphore(%arg20 : memref<!tpu.dma_semaphore, #tpu.memory_space<semaphore_mem>>) src(%arg12 : memref<32x128xf32, #tpu.memory_space<vmem>>) dst(%dma_wait3A_548 : memref<10240x128xf32, #tpu.memory_space<vmem_shared>>)
        } else {
        }
        %mul3A_536 = arith.constant 32 : i32
        %mul3A_537 = arith.muli %sub3A_526, %mul3A_536 : i32
        %dma_start3A_538 = tpu.memref_slice %arg7[%mul3A_537] : memref<5120xi32, #tpu.memory_space<vmem>> -> memref<32xi32, #tpu.memory_space<vmem>>
        %dma_start3A_539 = arith.constant 0 : i32
        %dma_start3A_540 = arith.constant 0 : i32
        %dma_start3A_541 = tpu.memref_slice %arg2[%dma_start3A_539, %dma_start3A_540] : memref<10000x128xf32, #tpu.memory_space<hbm>> -> memref<10000x128xf32, #tpu.memory_space<hbm>>
        tpu.enqueue_indirect_dma source(%dma_start3A_541 : memref<10000x128xf32, #tpu.memory_space<hbm>>) target(%arg12 : memref<32x128xf32, #tpu.memory_space<vmem>>) offsets(%dma_start3A_538 : memref<32xi32, #tpu.memory_space<vmem>>) semaphore(%arg16 : memref<!tpu.dma_semaphore, #tpu.memory_space<semaphore_mem>>)
      } else {
      }
    }
    %scan3A_330 = arith.constant 40 : i32
    %dma_wait3A_331 = arith.constant 0 : i32
    %dma_wait3A_332 = arith.constant 0 : i32
    %dma_wait3A_333 = tpu.memref_slice %arg8[%dma_wait3A_331, %dma_wait3A_332] : memref<160x32xi32, #tpu.memory_space<vmem>> -> memref<1x32xi32, #tpu.memory_space<vmem>>
    %dma_wait3A_334 = tpu.memref_squeeze %dma_wait3A_333 : memref<1x32xi32, #tpu.memory_space<vmem>> -> memref<32xi32, #tpu.memory_space<vmem>>
    %dma_wait3A_335 = arith.constant 0 : i32
    %dma_wait3A_336 = arith.constant 0 : i32
    %dma_wait3A_337 = tpu.memref_slice %arg6[%dma_wait3A_335, %dma_wait3A_336] : memref<10240x128xf32, #tpu.memory_space<vmem_shared>> -> memref<10240x128xf32, #tpu.memory_space<vmem_shared>>
    tpu.wait_indirect_dma semaphore(%arg18 : memref<!tpu.dma_semaphore, #tpu.memory_space<semaphore_mem>>) src(%arg10 : memref<32x128xf32, #tpu.memory_space<vmem>>) dst(%dma_wait3A_337 : memref<10240x128xf32, #tpu.memory_space<vmem_shared>>)
    %dma_wait3A_338 = arith.constant 0 : i32
    %dma_wait3A_339 = arith.constant 0 : i32
    %dma_wait3A_340 = tpu.memref_slice %arg8[%dma_wait3A_338, %dma_wait3A_339] : memref<160x32xi32, #tpu.memory_space<vmem>> -> memref<1x32xi32, #tpu.memory_space<vmem>>
    %dma_wait3A_341 = tpu.memref_squeeze %dma_wait3A_340 : memref<1x32xi32, #tpu.memory_space<vmem>> -> memref<32xi32, #tpu.memory_space<vmem>>
    %dma_wait3A_342 = arith.constant 0 : i32
    %dma_wait3A_343 = arith.constant 0 : i32
    %dma_wait3A_344 = tpu.memref_slice %arg6[%dma_wait3A_342, %dma_wait3A_343] : memref<10240x128xf32, #tpu.memory_space<vmem_shared>> -> memref<10240x128xf32, #tpu.memory_space<vmem_shared>>
    tpu.wait_indirect_dma semaphore(%arg19 : memref<!tpu.dma_semaphore, #tpu.memory_space<semaphore_mem>>) src(%arg11 : memref<32x128xf32, #tpu.memory_space<vmem>>) dst(%dma_wait3A_344 : memref<10240x128xf32, #tpu.memory_space<vmem_shared>>)
    %dma_wait3A_345 = arith.constant 0 : i32
    %dma_wait3A_346 = arith.constant 0 : i32
    %dma_wait3A_347 = tpu.memref_slice %arg8[%dma_wait3A_345, %dma_wait3A_346] : memref<160x32xi32, #tpu.memory_space<vmem>> -> memref<1x32xi32, #tpu.memory_space<vmem>>
    %dma_wait3A_348 = tpu.memref_squeeze %dma_wait3A_347 : memref<1x32xi32, #tpu.memory_space<vmem>> -> memref<32xi32, #tpu.memory_space<vmem>>
    %dma_wait3A_349 = arith.constant 0 : i32
    %dma_wait3A_350 = arith.constant 0 : i32
    %dma_wait3A_351 = tpu.memref_slice %arg6[%dma_wait3A_349, %dma_wait3A_350] : memref<10240x128xf32, #tpu.memory_space<vmem_shared>> -> memref<10240x128xf32, #tpu.memory_space<vmem_shared>>
    tpu.wait_indirect_dma semaphore(%arg20 : memref<!tpu.dma_semaphore, #tpu.memory_space<semaphore_mem>>) src(%arg12 : memref<32x128xf32, #tpu.memory_space<vmem>>) dst(%dma_wait3A_351 : memref<10240x128xf32, #tpu.memory_space<vmem_shared>>)
    %dma_wait3A_352 = arith.constant 0 : i32
    %dma_wait3A_353 = arith.constant 0 : i32
    %dma_wait3A_354 = tpu.memref_slice %arg8[%dma_wait3A_352, %dma_wait3A_353] : memref<160x32xi32, #tpu.memory_space<vmem>> -> memref<1x32xi32, #tpu.memory_space<vmem>>
    %dma_wait3A_355 = tpu.memref_squeeze %dma_wait3A_354 : memref<1x32xi32, #tpu.memory_space<vmem>> -> memref<32xi32, #tpu.memory_space<vmem>>
    %dma_wait3A_356 = arith.constant 0 : i32
    %dma_wait3A_357 = arith.constant 0 : i32
    %dma_wait3A_358 = tpu.memref_slice %arg6[%dma_wait3A_356, %dma_wait3A_357] : memref<10240x128xf32, #tpu.memory_space<vmem_shared>> -> memref<10240x128xf32, #tpu.memory_space<vmem_shared>>
    tpu.wait_indirect_dma semaphore(%arg21 : memref<!tpu.dma_semaphore, #tpu.memory_space<semaphore_mem>>) src(%arg13 : memref<32x128xf32, #tpu.memory_space<vmem>>) dst(%dma_wait3A_358 : memref<10240x128xf32, #tpu.memory_space<vmem_shared>>)
    %mul3A_359 = arith.constant 320 : i32
    %mul3A_360 = arith.muli %add3A, %mul3A_359 : i32
    %add3A_361 = arith.constant 160 : i32
    %add3A_362 = arith.addi %mul3A_360, %add3A_361 : i32
    %mul3A_363 = arith.constant 32 : i32
    %mul3A_364 = arith.muli %add3A_362, %mul3A_363 : i32
    %dma_start3A_365 = tpu.memref_slice %arg3[%mul3A_364] : memref<327680xi32, #tpu.memory_space<hbm>> -> memref<5120xi32, #tpu.memory_space<hbm>>
    %dma_start3A_366 = tpu.memref_slice %arg3[%mul3A_364] : memref<327680xi32, #tpu.memory_space<hbm>> -> memref<5120xi32, #tpu.memory_space<hbm>>
    tpu.enqueue_dma source(%dma_start3A_366 : memref<5120xi32, #tpu.memory_space<hbm>>) target(%arg7 : memref<5120xi32, #tpu.memory_space<vmem>>) target_semaphore(%arg9 : memref<!tpu.dma_semaphore, #tpu.memory_space<semaphore_mem>>)
    %mul3A_367 = arith.constant 320 : i32
    %mul3A_368 = arith.muli %add3A, %mul3A_367 : i32
    %add3A_369 = arith.constant 160 : i32
    %add3A_370 = arith.addi %mul3A_368, %add3A_369 : i32
    %dma_start3A_371 = arith.constant 0 : i32
    %dma_start3A_372 = tpu.memref_slice %arg4[%add3A_370, %dma_start3A_371] : memref<10240x32xi32, #tpu.memory_space<hbm>> -> memref<160x32xi32, #tpu.memory_space<hbm>>
    %dma_start3A_373 = arith.constant 0 : i32
    %dma_start3A_374 = tpu.memref_slice %arg4[%add3A_370, %dma_start3A_373] : memref<10240x32xi32, #tpu.memory_space<hbm>> -> memref<160x32xi32, #tpu.memory_space<hbm>>
    tpu.enqueue_dma source(%dma_start3A_374 : memref<160x32xi32, #tpu.memory_space<hbm>>) target(%arg8 : memref<160x32xi32, #tpu.memory_space<vmem>>) target_semaphore(%arg9 : memref<!tpu.dma_semaphore, #tpu.memory_space<semaphore_mem>>)
    %dma_wait3A_375 = arith.constant 0 : i32
    %dma_wait3A_376 = tpu.memref_slice %arg3[%dma_wait3A_375] : memref<327680xi32, #tpu.memory_space<hbm>> -> memref<5120xi32, #tpu.memory_space<hbm>>
    %dma_wait3A_377 = arith.constant 0 : i32
    %dma_wait3A_378 = tpu.memref_slice %arg3[%dma_wait3A_377] : memref<327680xi32, #tpu.memory_space<hbm>> -> memref<5120xi32, #tpu.memory_space<hbm>>
    tpu.wait_dma2 semaphore(%arg9 : memref<!tpu.dma_semaphore, #tpu.memory_space<semaphore_mem>>) src(%dma_wait3A_378 : memref<5120xi32, #tpu.memory_space<hbm>>) dst(%arg7 : memref<5120xi32, #tpu.memory_space<vmem>>)
    %dma_wait3A_379 = arith.constant 0 : i32
    %dma_wait3A_380 = arith.constant 0 : i32
    %dma_wait3A_381 = tpu.memref_slice %arg4[%dma_wait3A_379, %dma_wait3A_380] : memref<10240x32xi32, #tpu.memory_space<hbm>> -> memref<160x32xi32, #tpu.memory_space<hbm>>
    %dma_wait3A_382 = arith.constant 0 : i32
    %dma_wait3A_383 = arith.constant 0 : i32
    %dma_wait3A_384 = tpu.memref_slice %arg4[%dma_wait3A_382, %dma_wait3A_383] : memref<10240x32xi32, #tpu.memory_space<hbm>> -> memref<160x32xi32, #tpu.memory_space<hbm>>
    tpu.wait_dma2 semaphore(%arg9 : memref<!tpu.dma_semaphore, #tpu.memory_space<semaphore_mem>>) src(%dma_wait3A_384 : memref<160x32xi32, #tpu.memory_space<hbm>>) dst(%arg8 : memref<160x32xi32, #tpu.memory_space<vmem>>)
    %dma_start3A_385 = arith.constant 0 : i32
    %dma_start3A_386 = tpu.memref_slice %arg7[%dma_start3A_385] : memref<5120xi32, #tpu.memory_space<vmem>> -> memref<32xi32, #tpu.memory_space<vmem>>
    %dma_start3A_387 = arith.constant 0 : i32
    %dma_start3A_388 = arith.constant 0 : i32
    %dma_start3A_389 = tpu.memref_slice %arg2[%dma_start3A_387, %dma_start3A_388] : memref<10000x128xf32, #tpu.memory_space<hbm>> -> memref<10000x128xf32, #tpu.memory_space<hbm>>
    tpu.enqueue_indirect_dma source(%dma_start3A_389 : memref<10000x128xf32, #tpu.memory_space<hbm>>) target(%arg10 : memref<32x128xf32, #tpu.memory_space<vmem>>) offsets(%dma_start3A_386 : memref<32xi32, #tpu.memory_space<vmem>>) semaphore(%arg14 : memref<!tpu.dma_semaphore, #tpu.memory_space<semaphore_mem>>)
    %dma_start3A_390 = arith.constant 32 : i32
    %dma_start3A_391 = tpu.memref_slice %arg7[%dma_start3A_390] : memref<5120xi32, #tpu.memory_space<vmem>> -> memref<32xi32, #tpu.memory_space<vmem>>
    %dma_start3A_392 = arith.constant 0 : i32
    %dma_start3A_393 = arith.constant 0 : i32
    %dma_start3A_394 = tpu.memref_slice %arg2[%dma_start3A_392, %dma_start3A_393] : memref<10000x128xf32, #tpu.memory_space<hbm>> -> memref<10000x128xf32, #tpu.memory_space<hbm>>
    tpu.enqueue_indirect_dma source(%dma_start3A_394 : memref<10000x128xf32, #tpu.memory_space<hbm>>) target(%arg11 : memref<32x128xf32, #tpu.memory_space<vmem>>) offsets(%dma_start3A_391 : memref<32xi32, #tpu.memory_space<vmem>>) semaphore(%arg15 : memref<!tpu.dma_semaphore, #tpu.memory_space<semaphore_mem>>)
    %dma_start3A_395 = arith.constant 64 : i32
    %dma_start3A_396 = tpu.memref_slice %arg7[%dma_start3A_395] : memref<5120xi32, #tpu.memory_space<vmem>> -> memref<32xi32, #tpu.memory_space<vmem>>
    %dma_start3A_397 = arith.constant 0 : i32
    %dma_start3A_398 = arith.constant 0 : i32
    %dma_start3A_399 = tpu.memref_slice %arg2[%dma_start3A_397, %dma_start3A_398] : memref<10000x128xf32, #tpu.memory_space<hbm>> -> memref<10000x128xf32, #tpu.memory_space<hbm>>
    tpu.enqueue_indirect_dma source(%dma_start3A_399 : memref<10000x128xf32, #tpu.memory_space<hbm>>) target(%arg12 : memref<32x128xf32, #tpu.memory_space<vmem>>) offsets(%dma_start3A_396 : memref<32xi32, #tpu.memory_space<vmem>>) semaphore(%arg16 : memref<!tpu.dma_semaphore, #tpu.memory_space<semaphore_mem>>)
    %scan3A_400 = arith.constant 0 : i32
    %scan3A_401 = arith.constant 0 : i32
    %scan3A_402 = arith.constant 40 : i32
    %scan3A_403 = arith.addi %scan3A_401, %scan3A_402 : i32
    %scan3A_404 = arith.constant 1 : i32
    scf.for %scan3A_439 = %scan3A_401 to %scan3A_403 step %scan3A_404  : i32 {
      %mul3A_440 = arith.constant 4 : i32
      %mul3A_441 = arith.muli %scan3A_439, %mul3A_440 : i32
      %add3A_442 = arith.constant 0 : i32
      %add3A_443 = arith.addi %mul3A_441, %add3A_442 : i32
      %dma_wait3A_444 = arith.constant 0 : i32
      %dma_wait3A_445 = tpu.memref_slice %arg7[%dma_wait3A_444] : memref<5120xi32, #tpu.memory_space<vmem>> -> memref<32xi32, #tpu.memory_space<vmem>>
      %dma_wait3A_446 = arith.constant 0 : i32
      %dma_wait3A_447 = arith.constant 0 : i32
      %dma_wait3A_448 = tpu.memref_slice %arg2[%dma_wait3A_446, %dma_wait3A_447] : memref<10000x128xf32, #tpu.memory_space<hbm>> -> memref<10000x128xf32, #tpu.memory_space<hbm>>
      tpu.wait_indirect_dma semaphore(%arg14 : memref<!tpu.dma_semaphore, #tpu.memory_space<semaphore_mem>>) src(%dma_wait3A_448 : memref<10000x128xf32, #tpu.memory_space<hbm>>) dst(%arg10 : memref<32x128xf32, #tpu.memory_space<vmem>>)
      %dma_start3A_449 = arith.constant 0 : i32
      %dma_start3A_450 = tpu.memref_slice %arg8[%add3A_443, %dma_start3A_449] : memref<160x32xi32, #tpu.memory_space<vmem>> -> memref<1x32xi32, #tpu.memory_space<vmem>>
      %dma_start3A_451 = tpu.memref_squeeze %dma_start3A_450 : memref<1x32xi32, #tpu.memory_space<vmem>> -> memref<32xi32, #tpu.memory_space<vmem>>
      %dma_start3A_452 = arith.constant 0 : i32
      %dma_start3A_453 = arith.constant 0 : i32
      %dma_start3A_454 = tpu.memref_slice %arg6[%dma_start3A_452, %dma_start3A_453] : memref<10240x128xf32, #tpu.memory_space<vmem_shared>> -> memref<10240x128xf32, #tpu.memory_space<vmem_shared>>
      tpu.enqueue_indirect_dma source(%arg10 : memref<32x128xf32, #tpu.memory_space<vmem>>) target(%dma_start3A_454 : memref<10240x128xf32, #tpu.memory_space<vmem_shared>>) offsets(%dma_start3A_451 : memref<32xi32, #tpu.memory_space<vmem>>) semaphore(%arg18 : memref<!tpu.dma_semaphore, #tpu.memory_space<semaphore_mem>>) {add = true}
      %add3A_455 = arith.constant 4 : i32
      %add3A_456 = arith.addi %add3A_443, %add3A_455 : i32
      %sub3A = arith.constant 1 : i32
      %sub3A_457 = arith.subi %add3A_456, %sub3A : i32
      %lt3A = arith.constant 160 : i32
      %lt3A_458 = arith.cmpi slt, %sub3A_457, %lt3A : i32
      %convert_element_type3A = arith.extui %lt3A_458 : i1 to i32
      %cond3A = arith.constant 0 : i32
      %cond3A_459 = arith.cmpi ne, %convert_element_type3A, %cond3A : i32
      scf.if %cond3A_459 {
        %ge3A = arith.constant 1 : i32
        %ge3A_532 = arith.cmpi sge, %add3A_443, %ge3A : i32
        %convert_element_type3A_533 = arith.extui %ge3A_532 : i1 to i32
        %cond3A_534 = arith.constant 0 : i32
        %cond3A_535 = arith.cmpi ne, %convert_element_type3A_533, %cond3A_534 : i32
        scf.if %cond3A_535 {
          %dma_wait3A_542 = arith.constant 0 : i32
          %dma_wait3A_543 = arith.constant 0 : i32
          %dma_wait3A_544 = tpu.memref_slice %arg8[%dma_wait3A_542, %dma_wait3A_543] : memref<160x32xi32, #tpu.memory_space<vmem>> -> memref<1x32xi32, #tpu.memory_space<vmem>>
          %dma_wait3A_545 = tpu.memref_squeeze %dma_wait3A_544 : memref<1x32xi32, #tpu.memory_space<vmem>> -> memref<32xi32, #tpu.memory_space<vmem>>
          %dma_wait3A_546 = arith.constant 0 : i32
          %dma_wait3A_547 = arith.constant 0 : i32
          %dma_wait3A_548 = tpu.memref_slice %arg6[%dma_wait3A_546, %dma_wait3A_547] : memref<10240x128xf32, #tpu.memory_space<vmem_shared>> -> memref<10240x128xf32, #tpu.memory_space<vmem_shared>>
          tpu.wait_indirect_dma semaphore(%arg21 : memref<!tpu.dma_semaphore, #tpu.memory_space<semaphore_mem>>) src(%arg13 : memref<32x128xf32, #tpu.memory_space<vmem>>) dst(%dma_wait3A_548 : memref<10240x128xf32, #tpu.memory_space<vmem_shared>>)
        } else {
        }
        %mul3A_536 = arith.constant 32 : i32
        %mul3A_537 = arith.muli %sub3A_457, %mul3A_536 : i32
        %dma_start3A_538 = tpu.memref_slice %arg7[%mul3A_537] : memref<5120xi32, #tpu.memory_space<vmem>> -> memref<32xi32, #tpu.memory_space<vmem>>
        %dma_start3A_539 = arith.constant 0 : i32
        %dma_start3A_540 = arith.constant 0 : i32
        %dma_start3A_541 = tpu.memref_slice %arg2[%dma_start3A_539, %dma_start3A_540] : memref<10000x128xf32, #tpu.memory_space<hbm>> -> memref<10000x128xf32, #tpu.memory_space<hbm>>
        tpu.enqueue_indirect_dma source(%dma_start3A_541 : memref<10000x128xf32, #tpu.memory_space<hbm>>) target(%arg13 : memref<32x128xf32, #tpu.memory_space<vmem>>) offsets(%dma_start3A_538 : memref<32xi32, #tpu.memory_space<vmem>>) semaphore(%arg17 : memref<!tpu.dma_semaphore, #tpu.memory_space<semaphore_mem>>)
      } else {
      }
      %mul3A_460 = arith.constant 4 : i32
      %mul3A_461 = arith.muli %scan3A_439, %mul3A_460 : i32
      %add3A_462 = arith.constant 1 : i32
      %add3A_463 = arith.addi %mul3A_461, %add3A_462 : i32
      %dma_wait3A_464 = arith.constant 0 : i32
      %dma_wait3A_465 = tpu.memref_slice %arg7[%dma_wait3A_464] : memref<5120xi32, #tpu.memory_space<vmem>> -> memref<32xi32, #tpu.memory_space<vmem>>
      %dma_wait3A_466 = arith.constant 0 : i32
      %dma_wait3A_467 = arith.constant 0 : i32
      %dma_wait3A_468 = tpu.memref_slice %arg2[%dma_wait3A_466, %dma_wait3A_467] : memref<10000x128xf32, #tpu.memory_space<hbm>> -> memref<10000x128xf32, #tpu.memory_space<hbm>>
      tpu.wait_indirect_dma semaphore(%arg15 : memref<!tpu.dma_semaphore, #tpu.memory_space<semaphore_mem>>) src(%dma_wait3A_468 : memref<10000x128xf32, #tpu.memory_space<hbm>>) dst(%arg11 : memref<32x128xf32, #tpu.memory_space<vmem>>)
      %dma_start3A_469 = arith.constant 0 : i32
      %dma_start3A_470 = tpu.memref_slice %arg8[%add3A_463, %dma_start3A_469] : memref<160x32xi32, #tpu.memory_space<vmem>> -> memref<1x32xi32, #tpu.memory_space<vmem>>
      %dma_start3A_471 = tpu.memref_squeeze %dma_start3A_470 : memref<1x32xi32, #tpu.memory_space<vmem>> -> memref<32xi32, #tpu.memory_space<vmem>>
      %dma_start3A_472 = arith.constant 0 : i32
      %dma_start3A_473 = arith.constant 0 : i32
      %dma_start3A_474 = tpu.memref_slice %arg6[%dma_start3A_472, %dma_start3A_473] : memref<10240x128xf32, #tpu.memory_space<vmem_shared>> -> memref<10240x128xf32, #tpu.memory_space<vmem_shared>>
      tpu.enqueue_indirect_dma source(%arg11 : memref<32x128xf32, #tpu.memory_space<vmem>>) target(%dma_start3A_474 : memref<10240x128xf32, #tpu.memory_space<vmem_shared>>) offsets(%dma_start3A_471 : memref<32xi32, #tpu.memory_space<vmem>>) semaphore(%arg19 : memref<!tpu.dma_semaphore, #tpu.memory_space<semaphore_mem>>) {add = true}
      %add3A_475 = arith.constant 4 : i32
      %add3A_476 = arith.addi %add3A_463, %add3A_475 : i32
      %sub3A_477 = arith.constant 1 : i32
      %sub3A_478 = arith.subi %add3A_476, %sub3A_477 : i32
      %lt3A_479 = arith.constant 160 : i32
      %lt3A_480 = arith.cmpi slt, %sub3A_478, %lt3A_479 : i32
      %convert_element_type3A_481 = arith.extui %lt3A_480 : i1 to i32
      %cond3A_482 = arith.constant 0 : i32
      %cond3A_483 = arith.cmpi ne, %convert_element_type3A_481, %cond3A_482 : i32
      scf.if %cond3A_483 {
        %ge3A = arith.constant 1 : i32
        %ge3A_532 = arith.cmpi sge, %add3A_463, %ge3A : i32
        %convert_element_type3A_533 = arith.extui %ge3A_532 : i1 to i32
        %cond3A_534 = arith.constant 0 : i32
        %cond3A_535 = arith.cmpi ne, %convert_element_type3A_533, %cond3A_534 : i32
        scf.if %cond3A_535 {
          %dma_wait3A_542 = arith.constant 0 : i32
          %dma_wait3A_543 = arith.constant 0 : i32
          %dma_wait3A_544 = tpu.memref_slice %arg8[%dma_wait3A_542, %dma_wait3A_543] : memref<160x32xi32, #tpu.memory_space<vmem>> -> memref<1x32xi32, #tpu.memory_space<vmem>>
          %dma_wait3A_545 = tpu.memref_squeeze %dma_wait3A_544 : memref<1x32xi32, #tpu.memory_space<vmem>> -> memref<32xi32, #tpu.memory_space<vmem>>
          %dma_wait3A_546 = arith.constant 0 : i32
          %dma_wait3A_547 = arith.constant 0 : i32
          %dma_wait3A_548 = tpu.memref_slice %arg6[%dma_wait3A_546, %dma_wait3A_547] : memref<10240x128xf32, #tpu.memory_space<vmem_shared>> -> memref<10240x128xf32, #tpu.memory_space<vmem_shared>>
          tpu.wait_indirect_dma semaphore(%arg18 : memref<!tpu.dma_semaphore, #tpu.memory_space<semaphore_mem>>) src(%arg10 : memref<32x128xf32, #tpu.memory_space<vmem>>) dst(%dma_wait3A_548 : memref<10240x128xf32, #tpu.memory_space<vmem_shared>>)
        } else {
        }
        %mul3A_536 = arith.constant 32 : i32
        %mul3A_537 = arith.muli %sub3A_478, %mul3A_536 : i32
        %dma_start3A_538 = tpu.memref_slice %arg7[%mul3A_537] : memref<5120xi32, #tpu.memory_space<vmem>> -> memref<32xi32, #tpu.memory_space<vmem>>
        %dma_start3A_539 = arith.constant 0 : i32
        %dma_start3A_540 = arith.constant 0 : i32
        %dma_start3A_541 = tpu.memref_slice %arg2[%dma_start3A_539, %dma_start3A_540] : memref<10000x128xf32, #tpu.memory_space<hbm>> -> memref<10000x128xf32, #tpu.memory_space<hbm>>
        tpu.enqueue_indirect_dma source(%dma_start3A_541 : memref<10000x128xf32, #tpu.memory_space<hbm>>) target(%arg10 : memref<32x128xf32, #tpu.memory_space<vmem>>) offsets(%dma_start3A_538 : memref<32xi32, #tpu.memory_space<vmem>>) semaphore(%arg14 : memref<!tpu.dma_semaphore, #tpu.memory_space<semaphore_mem>>)
      } else {
      }
      %mul3A_484 = arith.constant 4 : i32
      %mul3A_485 = arith.muli %scan3A_439, %mul3A_484 : i32
      %add3A_486 = arith.constant 2 : i32
      %add3A_487 = arith.addi %mul3A_485, %add3A_486 : i32
      %dma_wait3A_488 = arith.constant 0 : i32
      %dma_wait3A_489 = tpu.memref_slice %arg7[%dma_wait3A_488] : memref<5120xi32, #tpu.memory_space<vmem>> -> memref<32xi32, #tpu.memory_space<vmem>>
      %dma_wait3A_490 = arith.constant 0 : i32
      %dma_wait3A_491 = arith.constant 0 : i32
      %dma_wait3A_492 = tpu.memref_slice %arg2[%dma_wait3A_490, %dma_wait3A_491] : memref<10000x128xf32, #tpu.memory_space<hbm>> -> memref<10000x128xf32, #tpu.memory_space<hbm>>
      tpu.wait_indirect_dma semaphore(%arg16 : memref<!tpu.dma_semaphore, #tpu.memory_space<semaphore_mem>>) src(%dma_wait3A_492 : memref<10000x128xf32, #tpu.memory_space<hbm>>) dst(%arg12 : memref<32x128xf32, #tpu.memory_space<vmem>>)
      %dma_start3A_493 = arith.constant 0 : i32
      %dma_start3A_494 = tpu.memref_slice %arg8[%add3A_487, %dma_start3A_493] : memref<160x32xi32, #tpu.memory_space<vmem>> -> memref<1x32xi32, #tpu.memory_space<vmem>>
      %dma_start3A_495 = tpu.memref_squeeze %dma_start3A_494 : memref<1x32xi32, #tpu.memory_space<vmem>> -> memref<32xi32, #tpu.memory_space<vmem>>
      %dma_start3A_496 = arith.constant 0 : i32
      %dma_start3A_497 = arith.constant 0 : i32
      %dma_start3A_498 = tpu.memref_slice %arg6[%dma_start3A_496, %dma_start3A_497] : memref<10240x128xf32, #tpu.memory_space<vmem_shared>> -> memref<10240x128xf32, #tpu.memory_space<vmem_shared>>
      tpu.enqueue_indirect_dma source(%arg12 : memref<32x128xf32, #tpu.memory_space<vmem>>) target(%dma_start3A_498 : memref<10240x128xf32, #tpu.memory_space<vmem_shared>>) offsets(%dma_start3A_495 : memref<32xi32, #tpu.memory_space<vmem>>) semaphore(%arg20 : memref<!tpu.dma_semaphore, #tpu.memory_space<semaphore_mem>>) {add = true}
      %add3A_499 = arith.constant 4 : i32
      %add3A_500 = arith.addi %add3A_487, %add3A_499 : i32
      %sub3A_501 = arith.constant 1 : i32
      %sub3A_502 = arith.subi %add3A_500, %sub3A_501 : i32
      %lt3A_503 = arith.constant 160 : i32
      %lt3A_504 = arith.cmpi slt, %sub3A_502, %lt3A_503 : i32
      %convert_element_type3A_505 = arith.extui %lt3A_504 : i1 to i32
      %cond3A_506 = arith.constant 0 : i32
      %cond3A_507 = arith.cmpi ne, %convert_element_type3A_505, %cond3A_506 : i32
      scf.if %cond3A_507 {
        %ge3A = arith.constant 1 : i32
        %ge3A_532 = arith.cmpi sge, %add3A_487, %ge3A : i32
        %convert_element_type3A_533 = arith.extui %ge3A_532 : i1 to i32
        %cond3A_534 = arith.constant 0 : i32
        %cond3A_535 = arith.cmpi ne, %convert_element_type3A_533, %cond3A_534 : i32
        scf.if %cond3A_535 {
          %dma_wait3A_542 = arith.constant 0 : i32
          %dma_wait3A_543 = arith.constant 0 : i32
          %dma_wait3A_544 = tpu.memref_slice %arg8[%dma_wait3A_542, %dma_wait3A_543] : memref<160x32xi32, #tpu.memory_space<vmem>> -> memref<1x32xi32, #tpu.memory_space<vmem>>
          %dma_wait3A_545 = tpu.memref_squeeze %dma_wait3A_544 : memref<1x32xi32, #tpu.memory_space<vmem>> -> memref<32xi32, #tpu.memory_space<vmem>>
          %dma_wait3A_546 = arith.constant 0 : i32
          %dma_wait3A_547 = arith.constant 0 : i32
          %dma_wait3A_548 = tpu.memref_slice %arg6[%dma_wait3A_546, %dma_wait3A_547] : memref<10240x128xf32, #tpu.memory_space<vmem_shared>> -> memref<10240x128xf32, #tpu.memory_space<vmem_shared>>
          tpu.wait_indirect_dma semaphore(%arg19 : memref<!tpu.dma_semaphore, #tpu.memory_space<semaphore_mem>>) src(%arg11 : memref<32x128xf32, #tpu.memory_space<vmem>>) dst(%dma_wait3A_548 : memref<10240x128xf32, #tpu.memory_space<vmem_shared>>)
        } else {
        }
        %mul3A_536 = arith.constant 32 : i32
        %mul3A_537 = arith.muli %sub3A_502, %mul3A_536 : i32
        %dma_start3A_538 = tpu.memref_slice %arg7[%mul3A_537] : memref<5120xi32, #tpu.memory_space<vmem>> -> memref<32xi32, #tpu.memory_space<vmem>>
        %dma_start3A_539 = arith.constant 0 : i32
        %dma_start3A_540 = arith.constant 0 : i32
        %dma_start3A_541 = tpu.memref_slice %arg2[%dma_start3A_539, %dma_start3A_540] : memref<10000x128xf32, #tpu.memory_space<hbm>> -> memref<10000x128xf32, #tpu.memory_space<hbm>>
        tpu.enqueue_indirect_dma source(%dma_start3A_541 : memref<10000x128xf32, #tpu.memory_space<hbm>>) target(%arg11 : memref<32x128xf32, #tpu.memory_space<vmem>>) offsets(%dma_start3A_538 : memref<32xi32, #tpu.memory_space<vmem>>) semaphore(%arg15 : memref<!tpu.dma_semaphore, #tpu.memory_space<semaphore_mem>>)
      } else {
      }
      %mul3A_508 = arith.constant 4 : i32
      %mul3A_509 = arith.muli %scan3A_439, %mul3A_508 : i32
      %add3A_510 = arith.constant 3 : i32
      %add3A_511 = arith.addi %mul3A_509, %add3A_510 : i32
      %dma_wait3A_512 = arith.constant 0 : i32
      %dma_wait3A_513 = tpu.memref_slice %arg7[%dma_wait3A_512] : memref<5120xi32, #tpu.memory_space<vmem>> -> memref<32xi32, #tpu.memory_space<vmem>>
      %dma_wait3A_514 = arith.constant 0 : i32
      %dma_wait3A_515 = arith.constant 0 : i32
      %dma_wait3A_516 = tpu.memref_slice %arg2[%dma_wait3A_514, %dma_wait3A_515] : memref<10000x128xf32, #tpu.memory_space<hbm>> -> memref<10000x128xf32, #tpu.memory_space<hbm>>
      tpu.wait_indirect_dma semaphore(%arg17 : memref<!tpu.dma_semaphore, #tpu.memory_space<semaphore_mem>>) src(%dma_wait3A_516 : memref<10000x128xf32, #tpu.memory_space<hbm>>) dst(%arg13 : memref<32x128xf32, #tpu.memory_space<vmem>>)
      %dma_start3A_517 = arith.constant 0 : i32
      %dma_start3A_518 = tpu.memref_slice %arg8[%add3A_511, %dma_start3A_517] : memref<160x32xi32, #tpu.memory_space<vmem>> -> memref<1x32xi32, #tpu.memory_space<vmem>>
      %dma_start3A_519 = tpu.memref_squeeze %dma_start3A_518 : memref<1x32xi32, #tpu.memory_space<vmem>> -> memref<32xi32, #tpu.memory_space<vmem>>
      %dma_start3A_520 = arith.constant 0 : i32
      %dma_start3A_521 = arith.constant 0 : i32
      %dma_start3A_522 = tpu.memref_slice %arg6[%dma_start3A_520, %dma_start3A_521] : memref<10240x128xf32, #tpu.memory_space<vmem_shared>> -> memref<10240x128xf32, #tpu.memory_space<vmem_shared>>
      tpu.enqueue_indirect_dma source(%arg13 : memref<32x128xf32, #tpu.memory_space<vmem>>) target(%dma_start3A_522 : memref<10240x128xf32, #tpu.memory_space<vmem_shared>>) offsets(%dma_start3A_519 : memref<32xi32, #tpu.memory_space<vmem>>) semaphore(%arg21 : memref<!tpu.dma_semaphore, #tpu.memory_space<semaphore_mem>>) {add = true}
      %add3A_523 = arith.constant 4 : i32
      %add3A_524 = arith.addi %add3A_511, %add3A_523 : i32
      %sub3A_525 = arith.constant 1 : i32
      %sub3A_526 = arith.subi %add3A_524, %sub3A_525 : i32
      %lt3A_527 = arith.constant 160 : i32
      %lt3A_528 = arith.cmpi slt, %sub3A_526, %lt3A_527 : i32
      %convert_element_type3A_529 = arith.extui %lt3A_528 : i1 to i32
      %cond3A_530 = arith.constant 0 : i32
      %cond3A_531 = arith.cmpi ne, %convert_element_type3A_529, %cond3A_530 : i32
      scf.if %cond3A_531 {
        %ge3A = arith.constant 1 : i32
        %ge3A_532 = arith.cmpi sge, %add3A_511, %ge3A : i32
        %convert_element_type3A_533 = arith.extui %ge3A_532 : i1 to i32
        %cond3A_534 = arith.constant 0 : i32
        %cond3A_535 = arith.cmpi ne, %convert_element_type3A_533, %cond3A_534 : i32
        scf.if %cond3A_535 {
          %dma_wait3A_542 = arith.constant 0 : i32
          %dma_wait3A_543 = arith.constant 0 : i32
          %dma_wait3A_544 = tpu.memref_slice %arg8[%dma_wait3A_542, %dma_wait3A_543] : memref<160x32xi32, #tpu.memory_space<vmem>> -> memref<1x32xi32, #tpu.memory_space<vmem>>
          %dma_wait3A_545 = tpu.memref_squeeze %dma_wait3A_544 : memref<1x32xi32, #tpu.memory_space<vmem>> -> memref<32xi32, #tpu.memory_space<vmem>>
          %dma_wait3A_546 = arith.constant 0 : i32
          %dma_wait3A_547 = arith.constant 0 : i32
          %dma_wait3A_548 = tpu.memref_slice %arg6[%dma_wait3A_546, %dma_wait3A_547] : memref<10240x128xf32, #tpu.memory_space<vmem_shared>> -> memref<10240x128xf32, #tpu.memory_space<vmem_shared>>
          tpu.wait_indirect_dma semaphore(%arg20 : memref<!tpu.dma_semaphore, #tpu.memory_space<semaphore_mem>>) src(%arg12 : memref<32x128xf32, #tpu.memory_space<vmem>>) dst(%dma_wait3A_548 : memref<10240x128xf32, #tpu.memory_space<vmem_shared>>)
        } else {
        }
        %mul3A_536 = arith.constant 32 : i32
        %mul3A_537 = arith.muli %sub3A_526, %mul3A_536 : i32
        %dma_start3A_538 = tpu.memref_slice %arg7[%mul3A_537] : memref<5120xi32, #tpu.memory_space<vmem>> -> memref<32xi32, #tpu.memory_space<vmem>>
        %dma_start3A_539 = arith.constant 0 : i32
        %dma_start3A_540 = arith.constant 0 : i32
        %dma_start3A_541 = tpu.memref_slice %arg2[%dma_start3A_539, %dma_start3A_540] : memref<10000x128xf32, #tpu.memory_space<hbm>> -> memref<10000x128xf32, #tpu.memory_space<hbm>>
        tpu.enqueue_indirect_dma source(%dma_start3A_541 : memref<10000x128xf32, #tpu.memory_space<hbm>>) target(%arg12 : memref<32x128xf32, #tpu.memory_space<vmem>>) offsets(%dma_start3A_538 : memref<32xi32, #tpu.memory_space<vmem>>) semaphore(%arg16 : memref<!tpu.dma_semaphore, #tpu.memory_space<semaphore_mem>>)
      } else {
      }
    }
    %scan3A_405 = arith.constant 40 : i32
    %dma_wait3A_406 = arith.constant 0 : i32
    %dma_wait3A_407 = arith.constant 0 : i32
    %dma_wait3A_408 = tpu.memref_slice %arg8[%dma_wait3A_406, %dma_wait3A_407] : memref<160x32xi32, #tpu.memory_space<vmem>> -> memref<1x32xi32, #tpu.memory_space<vmem>>
    %dma_wait3A_409 = tpu.memref_squeeze %dma_wait3A_408 : memref<1x32xi32, #tpu.memory_space<vmem>> -> memref<32xi32, #tpu.memory_space<vmem>>
    %dma_wait3A_410 = arith.constant 0 : i32
    %dma_wait3A_411 = arith.constant 0 : i32
    %dma_wait3A_412 = tpu.memref_slice %arg6[%dma_wait3A_410, %dma_wait3A_411] : memref<10240x128xf32, #tpu.memory_space<vmem_shared>> -> memref<10240x128xf32, #tpu.memory_space<vmem_shared>>
    tpu.wait_indirect_dma semaphore(%arg18 : memref<!tpu.dma_semaphore, #tpu.memory_space<semaphore_mem>>) src(%arg10 : memref<32x128xf32, #tpu.memory_space<vmem>>) dst(%dma_wait3A_412 : memref<10240x128xf32, #tpu.memory_space<vmem_shared>>)
    %dma_wait3A_413 = arith.constant 0 : i32
    %dma_wait3A_414 = arith.constant 0 : i32
    %dma_wait3A_415 = tpu.memref_slice %arg8[%dma_wait3A_413, %dma_wait3A_414] : memref<160x32xi32, #tpu.memory_space<vmem>> -> memref<1x32xi32, #tpu.memory_space<vmem>>
    %dma_wait3A_416 = tpu.memref_squeeze %dma_wait3A_415 : memref<1x32xi32, #tpu.memory_space<vmem>> -> memref<32xi32, #tpu.memory_space<vmem>>
    %dma_wait3A_417 = arith.constant 0 : i32
    %dma_wait3A_418 = arith.constant 0 : i32
    %dma_wait3A_419 = tpu.memref_slice %arg6[%dma_wait3A_417, %dma_wait3A_418] : memref<10240x128xf32, #tpu.memory_space<vmem_shared>> -> memref<10240x128xf32, #tpu.memory_space<vmem_shared>>
    tpu.wait_indirect_dma semaphore(%arg19 : memref<!tpu.dma_semaphore, #tpu.memory_space<semaphore_mem>>) src(%arg11 : memref<32x128xf32, #tpu.memory_space<vmem>>) dst(%dma_wait3A_419 : memref<10240x128xf32, #tpu.memory_space<vmem_shared>>)
    %dma_wait3A_420 = arith.constant 0 : i32
    %dma_wait3A_421 = arith.constant 0 : i32
    %dma_wait3A_422 = tpu.memref_slice %arg8[%dma_wait3A_420, %dma_wait3A_421] : memref<160x32xi32, #tpu.memory_space<vmem>> -> memref<1x32xi32, #tpu.memory_space<vmem>>
    %dma_wait3A_423 = tpu.memref_squeeze %dma_wait3A_422 : memref<1x32xi32, #tpu.memory_space<vmem>> -> memref<32xi32, #tpu.memory_space<vmem>>
    %dma_wait3A_424 = arith.constant 0 : i32
    %dma_wait3A_425 = arith.constant 0 : i32
    %dma_wait3A_426 = tpu.memref_slice %arg6[%dma_wait3A_424, %dma_wait3A_425] : memref<10240x128xf32, #tpu.memory_space<vmem_shared>> -> memref<10240x128xf32, #tpu.memory_space<vmem_shared>>
    tpu.wait_indirect_dma semaphore(%arg20 : memref<!tpu.dma_semaphore, #tpu.memory_space<semaphore_mem>>) src(%arg12 : memref<32x128xf32, #tpu.memory_space<vmem>>) dst(%dma_wait3A_426 : memref<10240x128xf32, #tpu.memory_space<vmem_shared>>)
    %dma_wait3A_427 = arith.constant 0 : i32
    %dma_wait3A_428 = arith.constant 0 : i32
    %dma_wait3A_429 = tpu.memref_slice %arg8[%dma_wait3A_427, %dma_wait3A_428] : memref<160x32xi32, #tpu.memory_space<vmem>> -> memref<1x32xi32, #tpu.memory_space<vmem>>
    %dma_wait3A_430 = tpu.memref_squeeze %dma_wait3A_429 : memref<1x32xi32, #tpu.memory_space<vmem>> -> memref<32xi32, #tpu.memory_space<vmem>>
    %dma_wait3A_431 = arith.constant 0 : i32
    %dma_wait3A_432 = arith.constant 0 : i32
    %dma_wait3A_433 = tpu.memref_slice %arg6[%dma_wait3A_431, %dma_wait3A_432] : memref<10240x128xf32, #tpu.memory_space<vmem_shared>> -> memref<10240x128xf32, #tpu.memory_space<vmem_shared>>
    tpu.wait_indirect_dma semaphore(%arg21 : memref<!tpu.dma_semaphore, #tpu.memory_space<semaphore_mem>>) src(%arg13 : memref<32x128xf32, #tpu.memory_space<vmem>>) dst(%dma_wait3A_433 : memref<10240x128xf32, #tpu.memory_space<vmem_shared>>)
    %barrier3A_434 = arith.constant 0 : index
    tpu.barrier barrier_id(%barrier3A_434)
    %mul3A_435 = arith.constant 640 : i32
    %mul3A_436 = arith.muli %arg1, %mul3A_435 : i32
    %mul3A_437 = arith.constant 640 : i32
    %mul3A_438 = arith.muli %arg1, %mul3A_437 : i32
    "tpu.region"() ({
      %run_scoped3A = tpu.sem_alloc : memref<!tpu.dma_semaphore, #tpu.memory_space<semaphore_mem>>
      %dma_start3A_439 = arith.constant 0 : i32
      %dma_start3A_440 = tpu.memref_slice %arg5[%arg0, %mul3A_438, %dma_start3A_439] : memref<2x10240x128xf32, #tpu.memory_space<hbm>> -> memref<1x640x128xf32, #tpu.memory_space<hbm>>
      %dma_start3A_441 = tpu.memref_squeeze %dma_start3A_440 : memref<1x640x128xf32, #tpu.memory_space<hbm>> -> memref<640x128xf32, #tpu.memory_space<hbm>>
      %dma_start3A_442 = arith.constant 0 : i32
      %dma_start3A_443 = tpu.memref_slice %arg6[%mul3A_436, %dma_start3A_442] : memref<10240x128xf32, #tpu.memory_space<vmem_shared>> -> memref<640x128xf32, #tpu.memory_space<vmem_shared>>
      tpu.enqueue_dma source(%dma_start3A_443 : memref<640x128xf32, #tpu.memory_space<vmem_shared>>) target(%dma_start3A_441 : memref<640x128xf32, #tpu.memory_space<hbm>>) target_semaphore(%run_scoped3A : memref<!tpu.dma_semaphore, #tpu.memory_space<semaphore_mem>>)
      %dma_wait3A_444 = arith.constant 0 : i32
      %dma_wait3A_445 = tpu.memref_slice %arg5[%arg0, %mul3A_438, %dma_wait3A_444] : memref<2x10240x128xf32, #tpu.memory_space<hbm>> -> memref<1x640x128xf32, #tpu.memory_space<hbm>>
      %dma_wait3A_446 = tpu.memref_squeeze %dma_wait3A_445 : memref<1x640x128xf32, #tpu.memory_space<hbm>> -> memref<640x128xf32, #tpu.memory_space<hbm>>
      %dma_wait3A_447 = arith.constant 0 : i32
      %dma_wait3A_448 = tpu.memref_slice %arg6[%mul3A_436, %dma_wait3A_447] : memref<10240x128xf32, #tpu.memory_space<vmem_shared>> -> memref<640x128xf32, #tpu.memory_space<vmem_shared>>
      tpu.wait_dma2 semaphore(%run_scoped3A : memref<!tpu.dma_semaphore, #tpu.memory_space<semaphore_mem>>) src(%dma_wait3A_448 : memref<640x128xf32, #tpu.memory_space<vmem_shared>>) dst(%dma_wait3A_446 : memref<640x128xf32, #tpu.memory_space<hbm>>)
      tpu.yield
    }) : () -> ()
    return
  }
}

#map = affine_map<(d0, d1) -> (0, 0)>
#map1 = affine_map<(d0, d1) -> (0, 0, 0)>
module attributes {stable_mosaic.version = 14 : i64} {
  func.func @body(%arg0: i32, %arg1: i32, %arg2: memref<2560x128xi32, #tpu.memory_space<hbm>>, %arg3: memref<2x10240x16xf32, #tpu.memory_space<hbm>>, %arg4: memref<10240x16xf32, #tpu.memory_space<vmem_shared>>, %arg5: memref<128x16xf32, #tpu.memory_space<vmem>>, %arg6: memref<128x16xf32, #tpu.memory_space<vmem>>, %arg7: memref<80x128xi32, #tpu.memory_space<vmem>>, %arg8: memref<!tpu.dma_semaphore, #tpu.memory_space<semaphore_mem>>, %arg9: memref<!tpu.dma_semaphore, #tpu.memory_space<semaphore_mem>>, %arg10: memref<!tpu.dma_semaphore, #tpu.memory_space<semaphore_mem>>, %arg11: memref<!tpu.dma_semaphore, #tpu.memory_space<semaphore_mem>>) attributes {dimension_semantics = [#tpu.dimension_semantics<core_parallel>, #tpu.dimension_semantics<subcore_parallel>], iteration_bounds = array<i64: 2, 16>, scalar_prefetch = 0 : i64, scratch_operands = 8 : i64, tpu.core_type = #tpu.core_type<sc_vector_subcore>, window_params = [{transform_indices = #map}, {transform_indices = #map1}]} {
    %mul3A = arith.constant 2 : i32
    %mul3A_0 = arith.muli %arg1, %mul3A : i32
    %add3A = arith.addi %mul3A_0, %arg0 : i32
    %scan3A = arith.constant 0 : i32
    %scan3A_1 = arith.constant 0 : i32
    %scan3A_2 = arith.constant 128 : i32
    %scan3A_3 = arith.addi %scan3A_1, %scan3A_2 : i32
    %scan3A_4 = arith.constant 1 : i32
    scf.for %scan3A_79 = %scan3A_1 to %scan3A_3 step %scan3A_4  : i32 {
      %broadcast_in_dim3A = arith.constant 1.000000e+00 : f32
      %broadcast_in_dim3A_80 = vector.broadcast %broadcast_in_dim3A : f32 to vector<16xf32>
      %swap3A = arith.index_cast %scan3A_79 : i32 to index
      %swap3A_81 = arith.constant 0 : index
      %swap3A_82 = tpu.vector_load %arg5[%swap3A, %swap3A_81] {strides = array<i32>} : memref<128x16xf32, #tpu.memory_space<vmem>>, vector<1x16xf32>,
      %swap3A_83 = vector.shape_cast %swap3A_82 : vector<1x16xf32> to vector<16xf32>
      %swap3A_84 = vector.shape_cast %broadcast_in_dim3A_80 : vector<16xf32> to vector<1x16xf32>
      tpu.vector_store %arg5[%swap3A, %swap3A_81], %swap3A_84 {strides = array<i32>} : memref<128x16xf32, #tpu.memory_space<vmem>>, vector<1x16xf32>,
      %broadcast_in_dim3A_85 = arith.constant 0.000000e+00 : f32
      %broadcast_in_dim3A_86 = vector.broadcast %broadcast_in_dim3A_85 : f32 to vector<16xf32>
      %swap3A_87 = arith.index_cast %scan3A_79 : i32 to index
      %swap3A_88 = arith.constant 0 : index
      %swap3A_89 = tpu.vector_load %arg6[%swap3A_87, %swap3A_88] {strides = array<i32>} : memref<128x16xf32, #tpu.memory_space<vmem>>, vector<1x16xf32>,
      %swap3A_90 = vector.shape_cast %swap3A_89 : vector<1x16xf32> to vector<16xf32>
      %swap3A_91 = vector.shape_cast %broadcast_in_dim3A_86 : vector<16xf32> to vector<1x16xf32>
      tpu.vector_store %arg6[%swap3A_87, %swap3A_88], %swap3A_91 {strides = array<i32>} : memref<128x16xf32, #tpu.memory_space<vmem>>, vector<1x16xf32>,
    }
    %scan3A_5 = arith.constant 128 : i32
    %scan3A_6 = arith.constant 0 : i32
    %scan3A_7 = arith.constant 0 : i32
    %scan3A_8 = arith.constant 5 : i32
    %scan3A_9 = arith.addi %scan3A_7, %scan3A_8 : i32
    %scan3A_10 = arith.constant 1 : i32
    scf.for %scan3A_79 = %scan3A_7 to %scan3A_9 step %scan3A_10  : i32 {
      %mul3A_80 = arith.constant 640 : i32
      %mul3A_81 = arith.muli %arg1, %mul3A_80 : i32
      %mul3A_82 = arith.constant 128 : i32
      %mul3A_83 = arith.muli %scan3A_79, %mul3A_82 : i32
      %add3A_84 = arith.addi %mul3A_81, %mul3A_83 : i32
      "tpu.region"() ({
        %run_scoped3A = tpu.sem_alloc : memref<!tpu.dma_semaphore, #tpu.memory_space<semaphore_mem>>
        %dma_start3A_85 = arith.constant 0 : i32
        %dma_start3A_86 = tpu.memref_slice %arg4[%add3A_84, %dma_start3A_85] : memref<10240x16xf32, #tpu.memory_space<vmem_shared>> -> memref<128x16xf32, #tpu.memory_space<vmem_shared>>
        %dma_start3A_87 = arith.constant 0 : i32
        %dma_start3A_88 = tpu.memref_slice %arg4[%add3A_84, %dma_start3A_87] : memref<10240x16xf32, #tpu.memory_space<vmem_shared>> -> memref<128x16xf32, #tpu.memory_space<vmem_shared>>
        tpu.enqueue_dma source(%arg6 : memref<128x16xf32, #tpu.memory_space<vmem>>) target(%dma_start3A_88 : memref<128x16xf32, #tpu.memory_space<vmem_shared>>) target_semaphore(%run_scoped3A : memref<!tpu.dma_semaphore, #tpu.memory_space<semaphore_mem>>)
        %dma_wait3A_89 = arith.constant 0 : i32
        %dma_wait3A_90 = tpu.memref_slice %arg4[%add3A_84, %dma_wait3A_89] : memref<10240x16xf32, #tpu.memory_space<vmem_shared>> -> memref<128x16xf32, #tpu.memory_space<vmem_shared>>
        %dma_wait3A_91 = arith.constant 0 : i32
        %dma_wait3A_92 = tpu.memref_slice %arg4[%add3A_84, %dma_wait3A_91] : memref<10240x16xf32, #tpu.memory_space<vmem_shared>> -> memref<128x16xf32, #tpu.memory_space<vmem_shared>>
        tpu.wait_dma2 semaphore(%run_scoped3A : memref<!tpu.dma_semaphore, #tpu.memory_space<semaphore_mem>>) src(%arg6 : memref<128x16xf32, #tpu.memory_space<vmem>>) dst(%dma_wait3A_92 : memref<128x16xf32, #tpu.memory_space<vmem_shared>>)
        tpu.yield
      }) : () -> ()
    }
    %scan3A_11 = arith.constant 5 : i32
    %mul3A_12 = arith.constant 80 : i32
    %mul3A_13 = arith.muli %add3A, %mul3A_12 : i32
    "tpu.region"() ({
      %run_scoped3A = tpu.sem_alloc : memref<!tpu.dma_semaphore, #tpu.memory_space<semaphore_mem>>
      %dma_start3A_79 = arith.constant 0 : i32
      %dma_start3A_80 = tpu.memref_slice %arg2[%mul3A_13, %dma_start3A_79] : memref<2560x128xi32, #tpu.memory_space<hbm>> -> memref<80x128xi32, #tpu.memory_space<hbm>>
      %dma_start3A_81 = arith.constant 0 : i32
      %dma_start3A_82 = tpu.memref_slice %arg2[%mul3A_13, %dma_start3A_81] : memref<2560x128xi32, #tpu.memory_space<hbm>> -> memref<80x128xi32, #tpu.memory_space<hbm>>
      tpu.enqueue_dma source(%dma_start3A_82 : memref<80x128xi32, #tpu.memory_space<hbm>>) target(%arg7 : memref<80x128xi32, #tpu.memory_space<vmem>>) target_semaphore(%run_scoped3A : memref<!tpu.dma_semaphore, #tpu.memory_space<semaphore_mem>>)
      %dma_wait3A_83 = arith.constant 0 : i32
      %dma_wait3A_84 = tpu.memref_slice %arg2[%mul3A_13, %dma_wait3A_83] : memref<2560x128xi32, #tpu.memory_space<hbm>> -> memref<80x128xi32, #tpu.memory_space<hbm>>
      %dma_wait3A_85 = arith.constant 0 : i32
      %dma_wait3A_86 = tpu.memref_slice %arg2[%mul3A_13, %dma_wait3A_85] : memref<2560x128xi32, #tpu.memory_space<hbm>> -> memref<80x128xi32, #tpu.memory_space<hbm>>
      tpu.wait_dma2 semaphore(%run_scoped3A : memref<!tpu.dma_semaphore, #tpu.memory_space<semaphore_mem>>) src(%dma_wait3A_86 : memref<80x128xi32, #tpu.memory_space<hbm>>) dst(%arg7 : memref<80x128xi32, #tpu.memory_space<vmem>>)
      tpu.yield
    }) : () -> ()
    %barrier3A = arith.constant 0 : index
    tpu.barrier barrier_id(%barrier3A)
    %dma_start3A = arith.constant 0 : i32
    %dma_start3A_14 = arith.constant 0 : i32
    %dma_start3A_15 = tpu.memref_slice %arg7[%dma_start3A, %dma_start3A_14] : memref<80x128xi32, #tpu.memory_space<vmem>> -> memref<1x128xi32, #tpu.memory_space<vmem>>
    %dma_start3A_16 = tpu.memref_squeeze %dma_start3A_15 : memref<1x128xi32, #tpu.memory_space<vmem>> -> memref<128xi32, #tpu.memory_space<vmem>>
    %dma_start3A_17 = arith.constant 0 : i32
    %dma_start3A_18 = arith.constant 0 : i32
    %dma_start3A_19 = tpu.memref_slice %arg4[%dma_start3A_17, %dma_start3A_18] : memref<10240x16xf32, #tpu.memory_space<vmem_shared>> -> memref<10240x16xf32, #tpu.memory_space<vmem_shared>>
    tpu.enqueue_indirect_dma source(%arg5 : memref<128x16xf32, #tpu.memory_space<vmem>>) target(%dma_start3A_19 : memref<10240x16xf32, #tpu.memory_space<vmem_shared>>) offsets(%dma_start3A_16 : memref<128xi32, #tpu.memory_space<vmem>>) semaphore(%arg8 : memref<!tpu.dma_semaphore, #tpu.memory_space<semaphore_mem>>) {add = true}
    %dma_start3A_20 = arith.constant 1 : i32
    %dma_start3A_21 = arith.constant 0 : i32
    %dma_start3A_22 = tpu.memref_slice %arg7[%dma_start3A_20, %dma_start3A_21] : memref<80x128xi32, #tpu.memory_space<vmem>> -> memref<1x128xi32, #tpu.memory_space<vmem>>
    %dma_start3A_23 = tpu.memref_squeeze %dma_start3A_22 : memref<1x128xi32, #tpu.memory_space<vmem>> -> memref<128xi32, #tpu.memory_space<vmem>>
    %dma_start3A_24 = arith.constant 0 : i32
    %dma_start3A_25 = arith.constant 0 : i32
    %dma_start3A_26 = tpu.memref_slice %arg4[%dma_start3A_24, %dma_start3A_25] : memref<10240x16xf32, #tpu.memory_space<vmem_shared>> -> memref<10240x16xf32, #tpu.memory_space<vmem_shared>>
    tpu.enqueue_indirect_dma source(%arg5 : memref<128x16xf32, #tpu.memory_space<vmem>>) target(%dma_start3A_26 : memref<10240x16xf32, #tpu.memory_space<vmem_shared>>) offsets(%dma_start3A_23 : memref<128xi32, #tpu.memory_space<vmem>>) semaphore(%arg9 : memref<!tpu.dma_semaphore, #tpu.memory_space<semaphore_mem>>) {add = true}
    %dma_start3A_27 = arith.constant 2 : i32
    %dma_start3A_28 = arith.constant 0 : i32
    %dma_start3A_29 = tpu.memref_slice %arg7[%dma_start3A_27, %dma_start3A_28] : memref<80x128xi32, #tpu.memory_space<vmem>> -> memref<1x128xi32, #tpu.memory_space<vmem>>
    %dma_start3A_30 = tpu.memref_squeeze %dma_start3A_29 : memref<1x128xi32, #tpu.memory_space<vmem>> -> memref<128xi32, #tpu.memory_space<vmem>>
    %dma_start3A_31 = arith.constant 0 : i32
    %dma_start3A_32 = arith.constant 0 : i32
    %dma_start3A_33 = tpu.memref_slice %arg4[%dma_start3A_31, %dma_start3A_32] : memref<10240x16xf32, #tpu.memory_space<vmem_shared>> -> memref<10240x16xf32, #tpu.memory_space<vmem_shared>>
    tpu.enqueue_indirect_dma source(%arg5 : memref<128x16xf32, #tpu.memory_space<vmem>>) target(%dma_start3A_33 : memref<10240x16xf32, #tpu.memory_space<vmem_shared>>) offsets(%dma_start3A_30 : memref<128xi32, #tpu.memory_space<vmem>>) semaphore(%arg10 : memref<!tpu.dma_semaphore, #tpu.memory_space<semaphore_mem>>) {add = true}
    %dma_start3A_34 = arith.constant 3 : i32
    %dma_start3A_35 = arith.constant 0 : i32
    %dma_start3A_36 = tpu.memref_slice %arg7[%dma_start3A_34, %dma_start3A_35] : memref<80x128xi32, #tpu.memory_space<vmem>> -> memref<1x128xi32, #tpu.memory_space<vmem>>
    %dma_start3A_37 = tpu.memref_squeeze %dma_start3A_36 : memref<1x128xi32, #tpu.memory_space<vmem>> -> memref<128xi32, #tpu.memory_space<vmem>>
    %dma_start3A_38 = arith.constant 0 : i32
    %dma_start3A_39 = arith.constant 0 : i32
    %dma_start3A_40 = tpu.memref_slice %arg4[%dma_start3A_38, %dma_start3A_39] : memref<10240x16xf32, #tpu.memory_space<vmem_shared>> -> memref<10240x16xf32, #tpu.memory_space<vmem_shared>>
    tpu.enqueue_indirect_dma source(%arg5 : memref<128x16xf32, #tpu.memory_space<vmem>>) target(%dma_start3A_40 : memref<10240x16xf32, #tpu.memory_space<vmem_shared>>) offsets(%dma_start3A_37 : memref<128xi32, #tpu.memory_space<vmem>>) semaphore(%arg11 : memref<!tpu.dma_semaphore, #tpu.memory_space<semaphore_mem>>) {add = true}
    %scan3A_41 = arith.constant 0 : i32
    %scan3A_42 = arith.constant 1 : i32
    %scan3A_43 = arith.constant 19 : i32
    %scan3A_44 = arith.addi %scan3A_42, %scan3A_43 : i32
    %scan3A_45 = arith.constant 1 : i32
    scf.for %scan3A_79 = %scan3A_42 to %scan3A_44 step %scan3A_45  : i32 {
      %dma_wait3A_80 = arith.constant 0 : i32
      %dma_wait3A_81 = arith.constant 0 : i32
      %dma_wait3A_82 = tpu.memref_slice %arg7[%dma_wait3A_80, %dma_wait3A_81] : memref<80x128xi32, #tpu.memory_space<vmem>> -> memref<1x128xi32, #tpu.memory_space<vmem>>
      %dma_wait3A_83 = tpu.memref_squeeze %dma_wait3A_82 : memref<1x128xi32, #tpu.memory_space<vmem>> -> memref<128xi32, #tpu.memory_space<vmem>>
      %dma_wait3A_84 = arith.constant 0 : i32
      %dma_wait3A_85 = arith.constant 0 : i32
      %dma_wait3A_86 = tpu.memref_slice %arg4[%dma_wait3A_84, %dma_wait3A_85] : memref<10240x16xf32, #tpu.memory_space<vmem_shared>> -> memref<10240x16xf32, #tpu.memory_space<vmem_shared>>
      tpu.wait_indirect_dma semaphore(%arg8 : memref<!tpu.dma_semaphore, #tpu.memory_space<semaphore_mem>>) src(%arg5 : memref<128x16xf32, #tpu.memory_space<vmem>>) dst(%dma_wait3A_86 : memref<10240x16xf32, #tpu.memory_space<vmem_shared>>)
      %mul3A_87 = arith.constant 4 : i32
      %mul3A_88 = arith.muli %scan3A_79, %mul3A_87 : i32
      %add3A_89 = arith.constant 0 : i32
      %add3A_90 = arith.addi %mul3A_88, %add3A_89 : i32
      %dma_start3A_91 = arith.constant 0 : i32
      %dma_start3A_92 = tpu.memref_slice %arg7[%add3A_90, %dma_start3A_91] : memref<80x128xi32, #tpu.memory_space<vmem>> -> memref<1x128xi32, #tpu.memory_space<vmem>>
      %dma_start3A_93 = tpu.memref_squeeze %dma_start3A_92 : memref<1x128xi32, #tpu.memory_space<vmem>> -> memref<128xi32, #tpu.memory_space<vmem>>
      %dma_start3A_94 = arith.constant 0 : i32
      %dma_start3A_95 = arith.constant 0 : i32
      %dma_start3A_96 = tpu.memref_slice %arg4[%dma_start3A_94, %dma_start3A_95] : memref<10240x16xf32, #tpu.memory_space<vmem_shared>> -> memref<10240x16xf32, #tpu.memory_space<vmem_shared>>
      tpu.enqueue_indirect_dma source(%arg5 : memref<128x16xf32, #tpu.memory_space<vmem>>) target(%dma_start3A_96 : memref<10240x16xf32, #tpu.memory_space<vmem_shared>>) offsets(%dma_start3A_93 : memref<128xi32, #tpu.memory_space<vmem>>) semaphore(%arg8 : memref<!tpu.dma_semaphore, #tpu.memory_space<semaphore_mem>>) {add = true}
      %dma_wait3A_97 = arith.constant 0 : i32
      %dma_wait3A_98 = arith.constant 0 : i32
      %dma_wait3A_99 = tpu.memref_slice %arg7[%dma_wait3A_97, %dma_wait3A_98] : memref<80x128xi32, #tpu.memory_space<vmem>> -> memref<1x128xi32, #tpu.memory_space<vmem>>
      %dma_wait3A_100 = tpu.memref_squeeze %dma_wait3A_99 : memref<1x128xi32, #tpu.memory_space<vmem>> -> memref<128xi32, #tpu.memory_space<vmem>>
      %dma_wait3A_101 = arith.constant 0 : i32
      %dma_wait3A_102 = arith.constant 0 : i32
      %dma_wait3A_103 = tpu.memref_slice %arg4[%dma_wait3A_101, %dma_wait3A_102] : memref<10240x16xf32, #tpu.memory_space<vmem_shared>> -> memref<10240x16xf32, #tpu.memory_space<vmem_shared>>
      tpu.wait_indirect_dma semaphore(%arg9 : memref<!tpu.dma_semaphore, #tpu.memory_space<semaphore_mem>>) src(%arg5 : memref<128x16xf32, #tpu.memory_space<vmem>>) dst(%dma_wait3A_103 : memref<10240x16xf32, #tpu.memory_space<vmem_shared>>)
      %mul3A_104 = arith.constant 4 : i32
      %mul3A_105 = arith.muli %scan3A_79, %mul3A_104 : i32
      %add3A_106 = arith.constant 1 : i32
      %add3A_107 = arith.addi %mul3A_105, %add3A_106 : i32
      %dma_start3A_108 = arith.constant 0 : i32
      %dma_start3A_109 = tpu.memref_slice %arg7[%add3A_107, %dma_start3A_108] : memref<80x128xi32, #tpu.memory_space<vmem>> -> memref<1x128xi32, #tpu.memory_space<vmem>>
      %dma_start3A_110 = tpu.memref_squeeze %dma_start3A_109 : memref<1x128xi32, #tpu.memory_space<vmem>> -> memref<128xi32, #tpu.memory_space<vmem>>
      %dma_start3A_111 = arith.constant 0 : i32
      %dma_start3A_112 = arith.constant 0 : i32
      %dma_start3A_113 = tpu.memref_slice %arg4[%dma_start3A_111, %dma_start3A_112] : memref<10240x16xf32, #tpu.memory_space<vmem_shared>> -> memref<10240x16xf32, #tpu.memory_space<vmem_shared>>
      tpu.enqueue_indirect_dma source(%arg5 : memref<128x16xf32, #tpu.memory_space<vmem>>) target(%dma_start3A_113 : memref<10240x16xf32, #tpu.memory_space<vmem_shared>>) offsets(%dma_start3A_110 : memref<128xi32, #tpu.memory_space<vmem>>) semaphore(%arg9 : memref<!tpu.dma_semaphore, #tpu.memory_space<semaphore_mem>>) {add = true}
      %dma_wait3A_114 = arith.constant 0 : i32
      %dma_wait3A_115 = arith.constant 0 : i32
      %dma_wait3A_116 = tpu.memref_slice %arg7[%dma_wait3A_114, %dma_wait3A_115] : memref<80x128xi32, #tpu.memory_space<vmem>> -> memref<1x128xi32, #tpu.memory_space<vmem>>
      %dma_wait3A_117 = tpu.memref_squeeze %dma_wait3A_116 : memref<1x128xi32, #tpu.memory_space<vmem>> -> memref<128xi32, #tpu.memory_space<vmem>>
      %dma_wait3A_118 = arith.constant 0 : i32
      %dma_wait3A_119 = arith.constant 0 : i32
      %dma_wait3A_120 = tpu.memref_slice %arg4[%dma_wait3A_118, %dma_wait3A_119] : memref<10240x16xf32, #tpu.memory_space<vmem_shared>> -> memref<10240x16xf32, #tpu.memory_space<vmem_shared>>
      tpu.wait_indirect_dma semaphore(%arg10 : memref<!tpu.dma_semaphore, #tpu.memory_space<semaphore_mem>>) src(%arg5 : memref<128x16xf32, #tpu.memory_space<vmem>>) dst(%dma_wait3A_120 : memref<10240x16xf32, #tpu.memory_space<vmem_shared>>)
      %mul3A_121 = arith.constant 4 : i32
      %mul3A_122 = arith.muli %scan3A_79, %mul3A_121 : i32
      %add3A_123 = arith.constant 2 : i32
      %add3A_124 = arith.addi %mul3A_122, %add3A_123 : i32
      %dma_start3A_125 = arith.constant 0 : i32
      %dma_start3A_126 = tpu.memref_slice %arg7[%add3A_124, %dma_start3A_125] : memref<80x128xi32, #tpu.memory_space<vmem>> -> memref<1x128xi32, #tpu.memory_space<vmem>>
      %dma_start3A_127 = tpu.memref_squeeze %dma_start3A_126 : memref<1x128xi32, #tpu.memory_space<vmem>> -> memref<128xi32, #tpu.memory_space<vmem>>
      %dma_start3A_128 = arith.constant 0 : i32
      %dma_start3A_129 = arith.constant 0 : i32
      %dma_start3A_130 = tpu.memref_slice %arg4[%dma_start3A_128, %dma_start3A_129] : memref<10240x16xf32, #tpu.memory_space<vmem_shared>> -> memref<10240x16xf32, #tpu.memory_space<vmem_shared>>
      tpu.enqueue_indirect_dma source(%arg5 : memref<128x16xf32, #tpu.memory_space<vmem>>) target(%dma_start3A_130 : memref<10240x16xf32, #tpu.memory_space<vmem_shared>>) offsets(%dma_start3A_127 : memref<128xi32, #tpu.memory_space<vmem>>) semaphore(%arg10 : memref<!tpu.dma_semaphore, #tpu.memory_space<semaphore_mem>>) {add = true}
      %dma_wait3A_131 = arith.constant 0 : i32
      %dma_wait3A_132 = arith.constant 0 : i32
      %dma_wait3A_133 = tpu.memref_slice %arg7[%dma_wait3A_131, %dma_wait3A_132] : memref<80x128xi32, #tpu.memory_space<vmem>> -> memref<1x128xi32, #tpu.memory_space<vmem>>
      %dma_wait3A_134 = tpu.memref_squeeze %dma_wait3A_133 : memref<1x128xi32, #tpu.memory_space<vmem>> -> memref<128xi32, #tpu.memory_space<vmem>>
      %dma_wait3A_135 = arith.constant 0 : i32
      %dma_wait3A_136 = arith.constant 0 : i32
      %dma_wait3A_137 = tpu.memref_slice %arg4[%dma_wait3A_135, %dma_wait3A_136] : memref<10240x16xf32, #tpu.memory_space<vmem_shared>> -> memref<10240x16xf32, #tpu.memory_space<vmem_shared>>
      tpu.wait_indirect_dma semaphore(%arg11 : memref<!tpu.dma_semaphore, #tpu.memory_space<semaphore_mem>>) src(%arg5 : memref<128x16xf32, #tpu.memory_space<vmem>>) dst(%dma_wait3A_137 : memref<10240x16xf32, #tpu.memory_space<vmem_shared>>)
      %mul3A_138 = arith.constant 4 : i32
      %mul3A_139 = arith.muli %scan3A_79, %mul3A_138 : i32
      %add3A_140 = arith.constant 3 : i32
      %add3A_141 = arith.addi %mul3A_139, %add3A_140 : i32
      %dma_start3A_142 = arith.constant 0 : i32
      %dma_start3A_143 = tpu.memref_slice %arg7[%add3A_141, %dma_start3A_142] : memref<80x128xi32, #tpu.memory_space<vmem>> -> memref<1x128xi32, #tpu.memory_space<vmem>>
      %dma_start3A_144 = tpu.memref_squeeze %dma_start3A_143 : memref<1x128xi32, #tpu.memory_space<vmem>> -> memref<128xi32, #tpu.memory_space<vmem>>
      %dma_start3A_145 = arith.constant 0 : i32
      %dma_start3A_146 = arith.constant 0 : i32
      %dma_start3A_147 = tpu.memref_slice %arg4[%dma_start3A_145, %dma_start3A_146] : memref<10240x16xf32, #tpu.memory_space<vmem_shared>> -> memref<10240x16xf32, #tpu.memory_space<vmem_shared>>
      tpu.enqueue_indirect_dma source(%arg5 : memref<128x16xf32, #tpu.memory_space<vmem>>) target(%dma_start3A_147 : memref<10240x16xf32, #tpu.memory_space<vmem_shared>>) offsets(%dma_start3A_144 : memref<128xi32, #tpu.memory_space<vmem>>) semaphore(%arg11 : memref<!tpu.dma_semaphore, #tpu.memory_space<semaphore_mem>>) {add = true}
    }
    %scan3A_46 = arith.constant 19 : i32
    %dma_wait3A = arith.constant 0 : i32
    %dma_wait3A_47 = arith.constant 0 : i32
    %dma_wait3A_48 = tpu.memref_slice %arg7[%dma_wait3A, %dma_wait3A_47] : memref<80x128xi32, #tpu.memory_space<vmem>> -> memref<1x128xi32, #tpu.memory_space<vmem>>
    %dma_wait3A_49 = tpu.memref_squeeze %dma_wait3A_48 : memref<1x128xi32, #tpu.memory_space<vmem>> -> memref<128xi32, #tpu.memory_space<vmem>>
    %dma_wait3A_50 = arith.constant 0 : i32
    %dma_wait3A_51 = arith.constant 0 : i32
    %dma_wait3A_52 = tpu.memref_slice %arg4[%dma_wait3A_50, %dma_wait3A_51] : memref<10240x16xf32, #tpu.memory_space<vmem_shared>> -> memref<10240x16xf32, #tpu.memory_space<vmem_shared>>
    tpu.wait_indirect_dma semaphore(%arg8 : memref<!tpu.dma_semaphore, #tpu.memory_space<semaphore_mem>>) src(%arg5 : memref<128x16xf32, #tpu.memory_space<vmem>>) dst(%dma_wait3A_52 : memref<10240x16xf32, #tpu.memory_space<vmem_shared>>)
    %dma_wait3A_53 = arith.constant 0 : i32
    %dma_wait3A_54 = arith.constant 0 : i32
    %dma_wait3A_55 = tpu.memref_slice %arg7[%dma_wait3A_53, %dma_wait3A_54] : memref<80x128xi32, #tpu.memory_space<vmem>> -> memref<1x128xi32, #tpu.memory_space<vmem>>
    %dma_wait3A_56 = tpu.memref_squeeze %dma_wait3A_55 : memref<1x128xi32, #tpu.memory_space<vmem>> -> memref<128xi32, #tpu.memory_space<vmem>>
    %dma_wait3A_57 = arith.constant 0 : i32
    %dma_wait3A_58 = arith.constant 0 : i32
    %dma_wait3A_59 = tpu.memref_slice %arg4[%dma_wait3A_57, %dma_wait3A_58] : memref<10240x16xf32, #tpu.memory_space<vmem_shared>> -> memref<10240x16xf32, #tpu.memory_space<vmem_shared>>
    tpu.wait_indirect_dma semaphore(%arg9 : memref<!tpu.dma_semaphore, #tpu.memory_space<semaphore_mem>>) src(%arg5 : memref<128x16xf32, #tpu.memory_space<vmem>>) dst(%dma_wait3A_59 : memref<10240x16xf32, #tpu.memory_space<vmem_shared>>)
    %dma_wait3A_60 = arith.constant 0 : i32
    %dma_wait3A_61 = arith.constant 0 : i32
    %dma_wait3A_62 = tpu.memref_slice %arg7[%dma_wait3A_60, %dma_wait3A_61] : memref<80x128xi32, #tpu.memory_space<vmem>> -> memref<1x128xi32, #tpu.memory_space<vmem>>
    %dma_wait3A_63 = tpu.memref_squeeze %dma_wait3A_62 : memref<1x128xi32, #tpu.memory_space<vmem>> -> memref<128xi32, #tpu.memory_space<vmem>>
    %dma_wait3A_64 = arith.constant 0 : i32
    %dma_wait3A_65 = arith.constant 0 : i32
    %dma_wait3A_66 = tpu.memref_slice %arg4[%dma_wait3A_64, %dma_wait3A_65] : memref<10240x16xf32, #tpu.memory_space<vmem_shared>> -> memref<10240x16xf32, #tpu.memory_space<vmem_shared>>
    tpu.wait_indirect_dma semaphore(%arg10 : memref<!tpu.dma_semaphore, #tpu.memory_space<semaphore_mem>>) src(%arg5 : memref<128x16xf32, #tpu.memory_space<vmem>>) dst(%dma_wait3A_66 : memref<10240x16xf32, #tpu.memory_space<vmem_shared>>)
    %dma_wait3A_67 = arith.constant 0 : i32
    %dma_wait3A_68 = arith.constant 0 : i32
    %dma_wait3A_69 = tpu.memref_slice %arg7[%dma_wait3A_67, %dma_wait3A_68] : memref<80x128xi32, #tpu.memory_space<vmem>> -> memref<1x128xi32, #tpu.memory_space<vmem>>
    %dma_wait3A_70 = tpu.memref_squeeze %dma_wait3A_69 : memref<1x128xi32, #tpu.memory_space<vmem>> -> memref<128xi32, #tpu.memory_space<vmem>>
    %dma_wait3A_71 = arith.constant 0 : i32
    %dma_wait3A_72 = arith.constant 0 : i32
    %dma_wait3A_73 = tpu.memref_slice %arg4[%dma_wait3A_71, %dma_wait3A_72] : memref<10240x16xf32, #tpu.memory_space<vmem_shared>> -> memref<10240x16xf32, #tpu.memory_space<vmem_shared>>
    tpu.wait_indirect_dma semaphore(%arg11 : memref<!tpu.dma_semaphore, #tpu.memory_space<semaphore_mem>>) src(%arg5 : memref<128x16xf32, #tpu.memory_space<vmem>>) dst(%dma_wait3A_73 : memref<10240x16xf32, #tpu.memory_space<vmem_shared>>)
    %barrier3A_74 = arith.constant 0 : index
    tpu.barrier barrier_id(%barrier3A_74)
    %mul3A_75 = arith.constant 640 : i32
    %mul3A_76 = arith.muli %arg1, %mul3A_75 : i32
    %mul3A_77 = arith.constant 640 : i32
    %mul3A_78 = arith.muli %arg1, %mul3A_77 : i32
    "tpu.region"() ({
      %run_scoped3A = tpu.sem_alloc : memref<!tpu.dma_semaphore, #tpu.memory_space<semaphore_mem>>
      %dma_start3A_79 = arith.constant 0 : i32
      %dma_start3A_80 = tpu.memref_slice %arg3[%arg0, %mul3A_78, %dma_start3A_79] : memref<2x10240x16xf32, #tpu.memory_space<hbm>> -> memref<1x640x16xf32, #tpu.memory_space<hbm>>
      %dma_start3A_81 = tpu.memref_squeeze %dma_start3A_80 : memref<1x640x16xf32, #tpu.memory_space<hbm>> -> memref<640x16xf32, #tpu.memory_space<hbm>>
      %dma_start3A_82 = arith.constant 0 : i32
      %dma_start3A_83 = tpu.memref_slice %arg4[%mul3A_76, %dma_start3A_82] : memref<10240x16xf32, #tpu.memory_space<vmem_shared>> -> memref<640x16xf32, #tpu.memory_space<vmem_shared>>
      tpu.enqueue_dma source(%dma_start3A_83 : memref<640x16xf32, #tpu.memory_space<vmem_shared>>) target(%dma_start3A_81 : memref<640x16xf32, #tpu.memory_space<hbm>>) target_semaphore(%run_scoped3A : memref<!tpu.dma_semaphore, #tpu.memory_space<semaphore_mem>>)
      %dma_wait3A_84 = arith.constant 0 : i32
      %dma_wait3A_85 = tpu.memref_slice %arg3[%arg0, %mul3A_78, %dma_wait3A_84] : memref<2x10240x16xf32, #tpu.memory_space<hbm>> -> memref<1x640x16xf32, #tpu.memory_space<hbm>>
      %dma_wait3A_86 = tpu.memref_squeeze %dma_wait3A_85 : memref<1x640x16xf32, #tpu.memory_space<hbm>> -> memref<640x16xf32, #tpu.memory_space<hbm>>
      %dma_wait3A_87 = arith.constant 0 : i32
      %dma_wait3A_88 = tpu.memref_slice %arg4[%mul3A_76, %dma_wait3A_87] : memref<10240x16xf32, #tpu.memory_space<vmem_shared>> -> memref<640x16xf32, #tpu.memory_space<vmem_shared>>
      tpu.wait_dma2 semaphore(%run_scoped3A : memref<!tpu.dma_semaphore, #tpu.memory_space<semaphore_mem>>) src(%dma_wait3A_88 : memref<640x16xf32, #tpu.memory_space<vmem_shared>>) dst(%dma_wait3A_86 : memref<640x16xf32, #tpu.memory_space<hbm>>)
      tpu.yield
    }) : () -> ()
    return
  }
}

module attributes {stable_mosaic.version = 14 : i64} {
  func.func @body(%arg0: i32, %arg1: memref<1000x128xf32, #tpu.memory_space<vmem>>, %arg2: memref<128x128xf32, #tpu.memory_space<vmem>>, %arg3: memref<2x1000x16xf32, #tpu.memory_space<vmem>>, %arg4: memref<1000x128xf32, #tpu.memory_space<vmem>>) attributes {dimension_semantics = [#tpu.dimension_semantics<arbitrary>], iteration_bounds = array<i64: 10>, scalar_prefetch = 0 : i64, scratch_operands = 0 : i64, tpu.core_type = #tpu.core_type<tc>, window_params = [{transform_indices = @transform_0, window_bounds = array<i64: 1000, 128>}, {pipeline_mode = #tpu.pipeline_mode<synchronous>, transform_indices = @transform_1, window_bounds = array<i64: 128, 128>}, {transform_indices = @transform_2, window_bounds = array<i64: 2, 1000, 16>}, {transform_indices = @transform_3, window_bounds = array<i64: 1000, 128>}]} {
    %get3A = arith.constant 0 : index
    %get3A_0 = arith.constant 0 : index
    %get3A_1 = vector.load %arg1[%get3A, %get3A_0] : memref<1000x128xf32, #tpu.memory_space<vmem>>, vector<1000x128xf32>
    %get3A_2 = arith.constant 0 : index
    %get3A_3 = arith.constant 0 : index
    %get3A_4 = vector.load %arg2[%get3A_2, %get3A_3] : memref<128x128xf32, #tpu.memory_space<vmem>>, vector<128x128xf32>
    %dot_general3A = arith.constant dense<0.000000e+00> : vector<1000x128xf32>
    %dot_general3A_5 = tpu.matmul %get3A_1, %get3A_4, %dot_general3A {dimension_numbers = #tpu.dot_dimension_numbers<[1], [0], [0], [1], [0, 0, 1, 1], [], []>, transpose_lhs_hint = false} : vector<1000x128xf32>, vector<128x128xf32>, vector<1000x128xf32> -> vector<1000x128xf32>
    %get3A_6 = arith.constant 0 : index
    %get3A_7 = arith.constant 0 : index
    %get3A_8 = arith.constant 0 : index
    %get3A_9 = vector.load %arg3[%get3A_6, %get3A_7, %get3A_8] : memref<2x1000x16xf32, #tpu.memory_space<vmem>>, vector<1x1000x1xf32>
    %get3A_10 = vector.shape_cast %get3A_9 : vector<1x1000x1xf32> to vector<1000x1xf32>
    %get3A_11 = arith.constant 1 : index
    %get3A_12 = arith.constant 0 : index
    %get3A_13 = arith.constant 0 : index
    %get3A_14 = vector.load %arg3[%get3A_11, %get3A_12, %get3A_13] : memref<2x1000x16xf32, #tpu.memory_space<vmem>>, vector<1x1000x1xf32>
    %get3A_15 = vector.shape_cast %get3A_14 : vector<1x1000x1xf32> to vector<1000x1xf32>
    %add3A = arith.addf %get3A_10, %get3A_15 : vector<1000x1xf32>
    %add3A_16 = arith.constant 1.000000e+00 : f32
    %add3A_17 = vector.broadcast %add3A_16 : f32 to vector<1000x1xf32>
    %add3A_18 = arith.addf %add3A, %add3A_17 : vector<1000x1xf32>
    %rsqrt3A = math.rsqrt %add3A_18 : vector<1000x1xf32>
    %mul3A = vector.broadcast %rsqrt3A : vector<1000x1xf32> to vector<1000x128xf32>
    %mul3A_19 = arith.mulf %dot_general3A_5, %mul3A : vector<1000x128xf32>
    %swap3A = arith.constant 0 : index
    %swap3A_20 = arith.constant 0 : index
    %swap3A_21 = vector.load %arg4[%swap3A, %swap3A_20] : memref<1000x128xf32, #tpu.memory_space<vmem>>, vector<1000x128xf32>
    tpu.vector_store %arg4[%swap3A, %swap3A_20], %mul3A_19 {strides = array<i32>} : memref<1000x128xf32, #tpu.memory_space<vmem>>, vector<1000x128xf32>,
    return
  }
  func.func @transform_0(%arg0: i32) -> (i32, i32) {
    %c0_i32 = arith.constant 0 : i32
    %c0_i32_0 = arith.constant 0 : i32
    return %arg0, %c0_i32 : i32, i32
  }
  func.func @transform_1(%arg0: i32) -> (i32, i32) {
    %c0_i32 = arith.constant 0 : i32
    %c0_i32_0 = arith.constant 0 : i32
    %c0_i32_1 = arith.constant 0 : i32
    return %c0_i32, %c0_i32_0 : i32, i32
  }
  func.func @transform_2(%arg0: i32) -> (i32, i32, i32) {
    %c0_i32 = arith.constant 0 : i32
    %c0_i32_0 = arith.constant 0 : i32
    %c0_i32_1 = arith.constant 0 : i32
    return %c0_i32, %arg0, %c0_i32_0 : i32, i32, i32
  }
  func.func @transform_3(%arg0: i32) -> (i32, i32) {
    %c0_i32 = arith.constant 0 : i32
    %c0_i32_0 = arith.constant 0 : i32
    return %arg0, %c0_i32 : i32, i32
  }
}

module attributes {stable_mosaic.version = 14 : i64} {
  func.func @body(%arg0: i32, %arg1: memref<2x1000x128xf32, #tpu.memory_space<vmem>>, %arg2: memref<1000x128xf32, #tpu.memory_space<vmem>>, %arg3: memref<2x1000x16xf32, #tpu.memory_space<vmem>>, %arg4: memref<1x128xf32, #tpu.memory_space<vmem>>, %arg5: memref<1000x128xf32, #tpu.memory_space<vmem>>) attributes {dimension_semantics = [#tpu.dimension_semantics<arbitrary>], iteration_bounds = array<i64: 10>, scalar_prefetch = 0 : i64, scratch_operands = 0 : i64, tpu.core_type = #tpu.core_type<tc>, window_params = [{transform_indices = @transform_0, window_bounds = array<i64: 2, 1000, 128>}, {transform_indices = @transform_1, window_bounds = array<i64: 1000, 128>}, {transform_indices = @transform_2, window_bounds = array<i64: 2, 1000, 16>}, {pipeline_mode = #tpu.pipeline_mode<synchronous>, transform_indices = @transform_3, window_bounds = array<i64: 1, 128>}, {transform_indices = @transform_4, window_bounds = array<i64: 1000, 128>}]} {
    %get3A = arith.constant 0 : index
    %get3A_0 = arith.constant 0 : index
    %get3A_1 = arith.constant 0 : index
    %get3A_2 = vector.load %arg3[%get3A, %get3A_0, %get3A_1] : memref<2x1000x16xf32, #tpu.memory_space<vmem>>, vector<1x1000x1xf32>
    %get3A_3 = vector.shape_cast %get3A_2 : vector<1x1000x1xf32> to vector<1000x1xf32>
    %get3A_4 = arith.constant 1 : index
    %get3A_5 = arith.constant 0 : index
    %get3A_6 = arith.constant 0 : index
    %get3A_7 = vector.load %arg3[%get3A_4, %get3A_5, %get3A_6] : memref<2x1000x16xf32, #tpu.memory_space<vmem>>, vector<1x1000x1xf32>
    %get3A_8 = vector.shape_cast %get3A_7 : vector<1x1000x1xf32> to vector<1000x1xf32>
    %add3A = arith.addf %get3A_3, %get3A_8 : vector<1000x1xf32>
    %add3A_9 = arith.constant 1.000000e+00 : f32
    %add3A_10 = vector.broadcast %add3A_9 : f32 to vector<1000x1xf32>
    %add3A_11 = arith.addf %add3A, %add3A_10 : vector<1000x1xf32>
    %get3A_12 = arith.constant 0 : index
    %get3A_13 = arith.constant 0 : index
    %get3A_14 = arith.constant 0 : index
    %get3A_15 = vector.load %arg1[%get3A_12, %get3A_13, %get3A_14] : memref<2x1000x128xf32, #tpu.memory_space<vmem>>, vector<1x1000x128xf32>
    %get3A_16 = vector.shape_cast %get3A_15 : vector<1x1000x128xf32> to vector<1000x128xf32>
    %get3A_17 = arith.constant 1 : index
    %get3A_18 = arith.constant 0 : index
    %get3A_19 = arith.constant 0 : index
    %get3A_20 = vector.load %arg1[%get3A_17, %get3A_18, %get3A_19] : memref<2x1000x128xf32, #tpu.memory_space<vmem>>, vector<1x1000x128xf32>
    %get3A_21 = vector.shape_cast %get3A_20 : vector<1x1000x128xf32> to vector<1000x128xf32>
    %add3A_22 = arith.addf %get3A_16, %get3A_21 : vector<1000x128xf32>
    %get3A_23 = arith.constant 0 : index
    %get3A_24 = arith.constant 0 : index
    %get3A_25 = vector.load %arg2[%get3A_23, %get3A_24] : memref<1000x128xf32, #tpu.memory_space<vmem>>, vector<1000x128xf32>
    %add3A_26 = arith.addf %add3A_22, %get3A_25 : vector<1000x128xf32>
    %rsqrt3A = math.rsqrt %add3A_11 : vector<1000x1xf32>
    %mul3A = vector.broadcast %rsqrt3A : vector<1000x1xf32> to vector<1000x128xf32>
    %mul3A_27 = arith.mulf %add3A_26, %mul3A : vector<1000x128xf32>
    %get3A_28 = arith.constant 0 : index
    %get3A_29 = arith.constant 0 : index
    %get3A_30 = vector.load %arg4[%get3A_28, %get3A_29] : memref<1x128xf32, #tpu.memory_space<vmem>>, vector<1x128xf32>
    %add3A_31 = vector.broadcast %get3A_30 : vector<1x128xf32> to vector<1000x128xf32>
    %add3A_32 = arith.addf %mul3A_27, %add3A_31 : vector<1000x128xf32>
    %swap3A = arith.constant 0 : index
    %swap3A_33 = arith.constant 0 : index
    %swap3A_34 = vector.load %arg5[%swap3A, %swap3A_33] : memref<1000x128xf32, #tpu.memory_space<vmem>>, vector<1000x128xf32>
    tpu.vector_store %arg5[%swap3A, %swap3A_33], %add3A_32 {strides = array<i32>} : memref<1000x128xf32, #tpu.memory_space<vmem>>, vector<1000x128xf32>,
    return
  }
  func.func @transform_0(%arg0: i32) -> (i32, i32, i32) {
    %c0_i32 = arith.constant 0 : i32
    %c0_i32_0 = arith.constant 0 : i32
    %c0_i32_1 = arith.constant 0 : i32
    return %c0_i32, %arg0, %c0_i32_0 : i32, i32, i32
  }
  func.func @transform_1(%arg0: i32) -> (i32, i32) {
    %c0_i32 = arith.constant 0 : i32
    %c0_i32_0 = arith.constant 0 : i32
    return %arg0, %c0_i32 : i32, i32
  }
  func.func @transform_2(%arg0: i32) -> (i32, i32, i32) {
    %c0_i32 = arith.constant 0 : i32
    %c0_i32_0 = arith.constant 0 : i32
    %c0_i32_1 = arith.constant 0 : i32
    return %c0_i32, %arg0, %c0_i32_0 : i32, i32, i32
  }
  func.func @transform_3(%arg0: i32) -> (i32, i32) {
    %c0_i32 = arith.constant 0 : i32
    %c0_i32_0 = arith.constant 0 : i32
    %c0_i32_1 = arith.constant 0 : i32
    return %c0_i32, %c0_i32_0 : i32, i32
  }
  func.func @transform_4(%arg0: i32) -> (i32, i32) {
    %c0_i32 = arith.constant 0 : i32
    %c0_i32_0 = arith.constant 0 : i32
    return %arg0, %c0_i32 : i32, i32
  }
}

</mosaic_0001>

<sc_bundles>
// kernel: kernel.6.cloned.1.call-start
scs
__scs_entry_jumppad:
0x0: {  	(pc) =	sbr.rel $0x88, $3  }
0x1: {  	(tag) =	ssettag $0x0;
	lr =	simm.s32 $0x1  }
0x2: {  	[smem:$0x3F9D] =	sst lr;
	_ =	strace $0xD0000000  }
0x3: {  	_ = 	snop  }
0x4: {  	_ = 	snop  }
0x5: {  	_ = 	snop  }
0x6: {  	_ = 	snop  }
0x7: {  	_ = 	snop  }
__scs_overlays_trampoline_lowered:
0x8: {  	[smem:$0x3FAC] =	sst s0  }
0x9: {  	[smem:$0x3FAD] =	sst s1  }
0xa: {  	[smem:$0x3FAE] =	sst s2  }
0xb: {  	[smem:$0x3FAF] =	sst s3  }
0xc: {  	[smem:$0x3FB0] =	sst s4  }
0xd: {  	[smem:$0x3FB1] =	sst s5  }
0xe: {  	[smem:$0x3FB2] =	sst s6  }
0xf: {  	[smem:$0x3FB3] =	sst s7  }
0x10: {  	[smem:$0x3FB4] =	sst s8  }
0x11: {  	[smem:$0x3FB5] =	sst s9;
	s0 =	simm.s32 @!p0 $0x0  }
0x12: {  	s1 =	sld [smem:$0x3F9B];
	s0 =	simm.s32 @p0 $0x1  }
0x13: {  	[smem:$0x3FB6] =	sst s0;
	s0 =	simm.s32 @!p1 $0x0  }
0x14: {  	s2 =	sld [smem:$0x3F9A];
	s0 =	simm.s32 @p1 $0x1  }
0x15: {  	[smem:$0x3FB7] =	sst s0;
	s0 =	simm.s32 @!p2 $0x0  }
0x16: {  	s3 =	sld [smem:$0x3FDB];
	s0 =	simm.s32 @p2 $0x1  }
0x17: {  	s4 =	simm.s32 $0x1BF5;
	[smem:$0x3FB9] =	sst s0  }
0x18: {  	s0 =	sld [smem:$0x3F9C];
	_ =	swait.ge [sflag:s4], $0x0  }
0x19: {  	s7 =	sld [smem:$0x3F9D]  }
0x1a: {  	s8 =	sadd.s32 $0xFFFFE003, lr  }
0x1b: {  	s9 =	sadd.s32 $0xFFFFFEF7, lr;
	s5 =	simm.s32 $0xFFFFFFFF;
	p2 =	slt.u32 s8, $0xFFFFF086  }
0x1c: {  	p1 =	slt.u32 s9, $0xF7A;
	s5 =	simm.s32 @!p2 $0x0  }
0x1d: {  	s5 =	simm.s32 @p1 $0x1;
	p0 =	seq.s32 s7, s2  }
0x1e: {  	s7 =	smul.u32 @!p0 $0xF7A, s2;
	p2 =	seq.s32 @!p0 s5, $0x0  }
0x1f: {  	s9 =	smul.u32 $0xF7A, s1;
	s8 =	simm.s32 @!p0 $0x1BF5;
	p2 =	por !p2, p0  }
0x20: {  	[sflag:s8] =	ssyncset.s32 @!p0 $0xFFFFF086;
	s6 =	sadd.s32 @!p0 s3, s7;
	s7 =	simm.s32 @!p0 $0x108  }
0x21: {  	s3 =	sadd.s32 s3, s9;
	s6 =	sadd.s32 @!p0 $0x88, s6;
	s7 =	simm.s32 @p2 $0x1082  }
0x22: {  	[simem:s7], [sflag:s8] =	dma.local @!p0 [hbm:s6], $0xF7A  }
0x23: {  	s9 =	sor.u32 $0xD0000000, s2;
	s6 =	simm.s32 $0x108;
	_ =	swait.ge @!p0 [sflag:s8], $0x0  }
0x24: {  	s3 =	sadd.s32 $0x88, s3;
	s6 =	simm.s32 @!p1 $0x1082;
	[sflag:s4] =	ssyncset.s32 $0xFFFFF086  }
0x25: {  	[simem:s6], [sflag:s4] =	dma.local [hbm:s3], $0xF7A  }
0x26: {  	[smem:$0x3F9D] =	sst s1;
	(tag) =	ssettag s2;
	_ =	strace s9  }
0x27: {  	s1 =	sld [smem:$0x3FAD]  }
0x28: {  	s2 =	sld [smem:$0x3FAE]  }
0x29: {  	s4 =	sld [smem:$0x3FB0]  }
0x2a: {  	p0 =	seq.s32 s5, $0x0;
	s5 =	sld [smem:$0x3FB1]  }
0x2b: {  	s6 =	sld [smem:$0x3FB2]  }
0x2c: {  	s7 =	sld [smem:$0x3FB3]  }
0x2d: {  	s3 =	simm.s32 $0x108;
	s8 =	sld [smem:$0x3FB4]  }
0x2e: {  	s3 =	simm.s32 @!p0 $0x1082;
	s9 =	sld [smem:$0x3FB5]  }
0x2f: {  	lr =	sadd.s32 s0, s3;
	s0 =	sld [smem:$0x3FAC]  }
0x30: {  	s3 =	sld [smem:$0x3FAF]  }
0x31: {  	[smem:$0x3FB8] =	sst s10  }
0x32: {  	s10 =	sld [smem:$0x3FB6];
	_ =	sdelay $0x3  }
0x33: {  	p0 =	seq.s32 s10, $0x1;
	s10 =	sld [smem:$0x3FB8];
	_ =	sdelay $0x3  }
0x34: {  	[smem:$0x3FB8] =	sst s10  }
0x35: {  	s10 =	sld [smem:$0x3FB7];
	_ =	sdelay $0x3  }
0x36: {  	p1 =	seq.s32 s10, $0x1;
	s10 =	sld [smem:$0x3FB8];
	_ =	sdelay $0x3  }
0x37: {  	[smem:$0x3FB8] =	sst s10  }
0x38: {  	s10 =	sld [smem:$0x3FB9]  }
0x39: {  	_ = 	snop;
	(pc) =	sbr.ind lr, $3  }
0x3a: {  	_ = 	snop  }
0x3b: {  	_ = 	snop  }
0x3c: {  	p2 =	seq.s32 s10, $0x1;
	s10 =	sld [smem:$0x3FB8]  }
0x3d: {  	_ =	shalt  }
0x3e: {  	_ =	shalt  }
0x3f: {  	_ =	shalt  }
0x40: {  	_ =	shalt  }
0x41: {  	_ =	shalt  }
0x42: {  	_ =	shalt  }
0x43: {  	_ =	shalt  }
0x44: {  	_ =	shalt  }
0x45: {  	_ =	shalt  }
0x46: {  	_ =	shalt  }
0x47: {  	_ =	shalt  }
0x48: {  	_ =	shalt  }
0x49: {  	_ =	shalt  }
0x4a: {  	_ =	shalt  }
0x4b: {  	_ =	shalt  }
0x4c: {  	_ =	shalt  }
0x4d: {  	_ =	shalt  }
0x4e: {  	_ =	shalt  }
0x4f: {  	_ =	shalt  }
0x50: {  	_ =	shalt  }
0x51: {  	_ =	shalt  }
0x52: {  	_ =	shalt  }
0x53: {  	_ =	shalt  }
0x54: {  	_ =	shalt  }
0x55: {  	_ =	shalt  }
0x56: {  	_ =	shalt  }
0x57: {  	_ =	shalt  }
0x58: {  	_ =	shalt  }
0x59: {  	_ =	shalt  }
0x5a: {  	_ =	shalt  }
0x5b: {  	_ =	shalt  }
0x5c: {  	_ =	shalt  }
0x5d: {  	_ =	shalt  }
0x5e: {  	_ =	shalt  }
0x5f: {  	_ =	shalt  }
0x60: {  	_ =	shalt  }
0x61: {  	_ =	shalt  }
0x62: {  	_ =	shalt  }
0x63: {  	_ =	shalt  }
0x64: {  	_ =	shalt  }
0x65: {  	_ =	shalt  }
0x66: {  	_ =	shalt  }
0x67: {  	_ =	shalt  }
0x68: {  	_ =	shalt  }
0x69: {  	_ =	shalt  }
0x6a: {  	_ =	shalt  }
0x6b: {  	_ =	shalt  }
0x6c: {  	_ =	shalt  }
0x6d: {  	_ =	shalt  }
0x6e: {  	_ =	shalt  }
0x6f: {  	_ =	shalt  }
0x70: {  	_ =	shalt  }
0x71: {  	_ =	shalt  }
0x72: {  	_ =	shalt  }
0x73: {  	_ =	shalt  }
0x74: {  	_ =	shalt  }
0x75: {  	_ =	shalt  }
0x76: {  	_ =	shalt  }
0x77: {  	_ =	shalt  }
0x78: {  	_ =	shalt  }
0x79: {  	_ =	shalt  }
0x7a: {  	_ =	shalt  }
0x7b: {  	_ =	shalt  }
0x7c: {  	_ =	shalt  }
0x7d: {  	_ =	shalt  }
0x7e: {  	_ =	shalt  }
0x7f: {  	_ =	shalt  }
0x80: {  	_ =	shalt  }
0x81: {  	_ =	shalt  }
0x82: {  	_ =	shalt  }
0x83: {  	_ =	shalt  }
0x84: {  	_ =	shalt  }
0x85: {  	_ =	shalt  }
0x86: {  	_ =	shalt  }
0x87: {  	_ =	shalt  }
.Lfunc_end0:
.L_simem_size_0:
called_computation_lowered:
.L_overlay_start_0:
0x88: {  	s2 =	sld [smem:$0x3FD9]  }
0x89: {  	s3 =	sld [smem:$0x3FFE];
	_ =	sdelay $0x1  }
0x8a: {  	s1 =	srdreg.scid  }
0x8b: {  	s0 =	sand.u32 $0x1, s1  }
0x8c: {  	s17 =	sshll.u32 s0, $0xA;
	s2 =	sadd.s32 s3, s2  }
0x8d: {  	s2 =	sadd.s32 s2, s17  }
0x8e: {  	[smem:$0x3FC4] =	sst s2  }
0x8f: {  	_ = 	snop  }
0x90: {  	s2 =	sld [smem:$0x3FD0];
	(tm) =	ssettm $0x1  }
0x91: {  	s18 =	sld [smem:$0x3FFB];
	_ =	sdelay $0x3  }
0x92: {  	_ =	strace s18  }
0x93: {  	s3 =	sld [smem:$0x3FFC];
	_ =	sdelay $0x3  }
0x94: {  	_ =	strace s3  }
0x95: {  	s3 =	sld [smem:$0x3FFD];
	_ =	sdelay $0x3  }
0x96: {  	_ =	strace s3  }
0x97: {  	_ =	strace $0x8FFFFFFF  }
0x98: {  	s19 =	sld [smem:$0x3FDB];
	_ =	sdelay $0x1  }
0x99: {  	s4 =	simm.s32 $_scs_section_size  }
0x9a: {  	s5 =	simm.s32 $_size__tile_overlayer_lowered;
	s6 =	simm.s32 $_tile_overlayer_lowered  }
0x9b: {  	s22 =	simm.s32 $0x1BFF;
	s21 =	sshll.u32 s6, $0x1;
	s3 =	sadd.s32 s4, s19  }
0x9c: {  	s7 =	simm.s32 $0x0;
	s20 =	sshll.u32 s5, $0x1;
	s5 =	sadd.s32 s21, s3  }
0x9d: {  	[timem:s7], [sflag:s22] =	dma.local [hbm:s5], s20  }
0x9e: {  	_ =	swait.ge [sflag:s22], s20  }
0x9f: {  	s4 =	ssub.s32 $0x0, s20;
	[sflag:s22] =	ssyncset.done $0x0  }
0xa0: {  	[sflag:s22] =	ssyncadd.s32 s4;
	_ =	sdelay $0x1  }
0xa1: {  	s23 =	simm.s32 $0x1B8B  }
0xa2: {  	_ =	swait.ge [sflag:s23], $0x1  }
0xa3: {  	[sflag:s23] =	ssyncset.done $0x0  }
0xa4: {  	s25 =	simm.s32 $0x1B8E;
	s24 =	sld [smem:$0x3FFE];
	[sflag:s23] =	ssyncadd.s32 $0xFFFFFFFF  }
0xa5: {  	s26 =	simm.s32 $execute0_lowered;
	[smem:$0x3FD2] =	sst s25  }
0xa6: {  	s5 =	sshll.u32 s26, $0x1;
	_ =	strace $0x80000046;
	[dreg:$0x1] =	wrdreg $0xFFFFFFFF  }
0xa7: {  	s28 =	simm.s32 $_size_execute0_lowered;
	s3 =	sadd.s32 s3, s5;
	[dreg:$0x0] =	wrdreg $0x0  }
0xa8: {  	s5 =	sshll.u32 s28, $0x1;
	[dreg:$0x2] =	wrdreg s3  }
0xa9: {  	[dreg:$0x3] =	wrdreg s5  }
0xaa: {  	[dreg:$0x4] =	wrdreg $0xC0  }
0xab: {  	_ =	task [dreg:s7], $0x5FFFF  }
0xac: {  	[dreg:$0x1] =	wrdreg $0xFFFFFFFF  }
0xad: {  	[dreg:$0x0] =	wrdreg $0x60  }
0xae: {  	[dreg:$0x2] =	wrdreg s2  }
0xaf: {  	[dreg:$0x3] =	wrdreg s24  }
0xb0: {  	[dreg:$0x4] =	wrdreg $0x0  }
0xb1: {  	[dreg:$0x5] =	wrdreg $0x9  }
0xb2: {  	_ =	task.clear_ibuf [dreg:s7], $0x6FFFF;
	_ =	strace $0x90000046  }
0xb3: {  	s29 =	simm.s32 $0x9;
	_ =	strace $0x80000048  }
0xb4: {  	_ =	swait.ge [sflag:s29], $0x1  }
0xb5: {  	[sflag:s29] =	ssyncadd.s32 $0xFFFFFFFF  }
0xb6: {  	_ =	strace $0x90000048  }
0xb7: {  	_ =	sfence  }
0xb8: {  	s30 =	sld [smem:$0x0];
	_ =	sdelay $0x2  }
0xb9: {  	s31 =	sshll.u32 s1, $0xD;
	s1 =	sshrl.u32 s1, $0x2  }
0xba: {  	s3 =	sand.u32 $0x4000, s31;
	s1 =	sadd.s32 s1, s30  }
0xbb: {  	s0 =	sor.u32 s3, s0;
	s1 =	sshll.u32 s1, $0x11  }
0xbc: {  	s0 =	sor.u32 s1, s0  }
0xbd: {  	s0 =	sadd.s32 $0x8F2B, s0  }
0xbe: {  	[sflag:s0] =	ssyncadd.remote.s32 $0x1  }
0xbf: {  	_ =	sfence.sel $0xFFFF  }
0xc0: {  	[dreg:$0x0] =	wrdreg $0xFFFFFFFF;
	(pc) =	sbr.abs _section_cstart, $3  }
0xc1: {  	[dreg:$0x1] =	wrdreg $0xFFFFFFFF  }
0xc2: {  	_ =	task.clear_ibuf [dreg:s7], $0x2FFFF;
	_ =	strace $0x9FFFFFFF  }
0xc3: {  	(tm) =	ssettm $0x7FFFFFFF  }
tec
execute0_lowered:
.L_overlay_start_1:
0x0: {  	(tag) =	ssettag $0x1  }
0x1: {  	s5 =	rddreg [dreg:$0x0]  }
0x2: {  	s4 =	rddreg [dreg:$0x1];
	s0 =	srdreg.scid  }
0x3: {  	s2 =	rddreg [dreg:$0x2];
	s1 =	stileid.u32  }
0x4: {  	s3 =	simm.s32 $0x0;
	s12 =	simm.s32 $0x6800;
	s13 =	simm.s32 $0x5  }
0x5: {  	s14 =	simm.s32 $0xA800;
	s15 =	simm.s32 $0x80;
	s16 =	simm.s32 $0x2800  }
0x6: {  	s17 =	simm.s32 $0xA880;
	s18 =	simm.s32 $0xA900;
	s19 =	simm.s32 $0xA980  }
0x7: {  	s20 =	simm.s32 $0x1;
	s21 =	simm.s32 $0x2;
	s22 =	simm.s32 $0x3  }
0x8: {  	s23 =	simm.s32 $0x4;
	s24 =	simm.s32 $0x0;
	s8 =	smul.u32 $0x14000, s1  }
0x9: {  	s6 =	sand.u32 $0x1, s0;
	s0 =	rddreg [dreg:$0x3];
	s30 =	smul.u32 $0x50000, s1  }
0xa: {  	[smem:$0x7FF] =	sst s3;
	s29 =	sshll.u32 s1, $0x1;
	s7 =	smul.u32 $0x140000, s6  }
0xb: {  	_ =	strace $0x80000047;
	s9 =	ssub.s32 $0x2, s6;
	s6 =	sor.u32 s6, s29  }
0xc: {  	s10 =	sshrl.u32 s9, $0x1;
	s6 =	smul.u32 $0x500, s6;
	s7 =	sadd.s32 s8, s7  }
0xd: {  	s31 =	sshrl.u32 s30, $0x2;
	s9 =	ssub.s32 s9, s10;
	s7 =	sshrl.u32 s7, $0x3  }
0xe: {  	s5 =	sadd.s32 s5, s6;
	s7 =	sadd.s32 s7, s4;
	s4 =	sadd.s32 s31, s2  }
0xf: {  	s6 =	sadd.s32 $0xBE00, s7;
	s7 =	smax.u32 s9, $0x1;
	s8 =	sadd.s32 $0x4000, s4  }
0x10: {  	v0 =	vimm.f32 $1.000000000e+00;
	v1 =	vimm.f32 $0.0e+00;
	s9 =	sadd.s32 $0x8000, s4;
	s10 =	sadd.s32 $0xC000, s4;
	s11 =	sadd.s32 $0x10000, s4  }
.LBB2_1:
0x11: {  	s25 =	simm.s32 $0x200;
	s26 =	simm.s32 $0x0  }
.LBB2_2:
0x12: {  	p0 =	sne.s32 s25, $0xFE00;
	[tilespmem:s26+$0x2800] =	vst v0;
	s28 =	smov.u32 s25;
	s25 =	sadd.s32 $0x200, s25  }
.Ltmp0:
0x13: {  	[tilespmem:s26+$0x6800] =	vst v1;
	(pc) =	sbr.rel @p0 .LBB2_2-.Ltmp0, $2  }
0x14: {  	_ =	sdelay $0x2  }
0x15: {  	s26 =	sshra.s32 s28, $0x2  }
0x16: {  	[tilespmem:s26+$0x2800] =	vst v0  }
0x17: {  	[tilespmem:s26+$0x6800] =	vst v1  }
0x18: {  	[spmem:s4] =	stream.linear.scatter [tilespmem:s12], [sflag:$0x5], $0x4000, $0x38;
	[tilespmem:$0xD000] =	vst v63  }
0x19: {  	_ =	swait.ge [sflag:s13], $0x4000  }
0x1a: {  	[sflag:s13] =	ssyncset.done $0x0  }
0x1b: {  	[sflag:s13] =	ssyncadd.s32 $0xFFFFC000  }
0x1c: {  	[spmem:s8] =	stream.linear.scatter [tilespmem:s12], [sflag:$0x5], $0x4000, $0x38;
	[tilespmem:$0xD000] =	vst v63  }
0x1d: {  	_ =	swait.ge [sflag:s13], $0x4000  }
0x1e: {  	[sflag:s13] =	ssyncset.done $0x0  }
0x1f: {  	[sflag:s13] =	ssyncadd.s32 $0xFFFFC000  }
0x20: {  	[spmem:s9] =	stream.linear.scatter [tilespmem:s12], [sflag:$0x5], $0x4000, $0x38;
	[tilespmem:$0xD000] =	vst v63  }
0x21: {  	_ =	swait.ge [sflag:s13], $0x4000  }
0x22: {  	[sflag:s13] =	ssyncset.done $0x0  }
0x23: {  	[sflag:s13] =	ssyncadd.s32 $0xFFFFC000  }
0x24: {  	[spmem:s10] =	stream.linear.scatter [tilespmem:s12], [sflag:$0x5], $0x4000, $0x38;
	[tilespmem:$0xD000] =	vst v63  }
0x25: {  	_ =	swait.ge [sflag:s13], $0x4000  }
0x26: {  	[sflag:s13] =	ssyncset.done $0x0  }
0x27: {  	[sflag:s13] =	ssyncadd.s32 $0xFFFFC000  }
0x28: {  	[spmem:s11] =	stream.linear.scatter [tilespmem:s12], [sflag:$0x5], $0x4000, $0x38;
	[tilespmem:$0xD000] =	vst v63  }
0x29: {  	_ =	swait.ge [sflag:s13], $0x4000  }
0x2a: {  	[sflag:s13] =	ssyncset.done $0x0  }
0x2b: {  	[sflag:s13] =	ssyncadd.s32 $0xFFFFC000  }
0x2c: {  	[tilespmem:s14], [sflag:$0x5] =	stream.linear.gather [hbm4b:s5+s3], $0x2800, $0x38;
	[tilespmem:$0xD000] =	vst v63  }
0x2d: {  	_ =	swait.ge [sflag:s13], $0x2800  }
0x2e: {  	[sflag:s13] =	ssyncset.done $0x0  }
0x2f: {  	[sflag:s13] =	ssyncadd.s32 $0xFFFFD800  }
0x30: {  	[bflag:$0x0] =	sbarrier.arrive $0xFFFF  }
0x31: {  	[spmem:s2] =	stream.indirect.scatter.add.f32 [tilespmem:s16], [sflag:$0x1], $0x10, s14, s15, $0xb8;
	[tilespmem:$0xD000] =	vst v63  }
0x32: {  	_ = 	snop  }
0x33: {  	[spmem:s2] =	stream.indirect.scatter.add.f32 [tilespmem:s16], [sflag:$0x2], $0x10, s17, s15, $0xb8;
	[tilespmem:$0xD000] =	vst v63  }
0x34: {  	_ = 	snop  }
0x35: {  	[spmem:s2] =	stream.indirect.scatter.add.f32 [tilespmem:s16], [sflag:$0x3], $0x10, s18, s15, $0xb8;
	[tilespmem:$0xD000] =	vst v63  }
0x36: {  	_ = 	snop  }
0x37: {  	[spmem:s2] =	stream.indirect.scatter.add.f32 [tilespmem:s16], [sflag:$0x4], $0x10, s19, s15, $0xb8;
	[tilespmem:$0xD000] =	vst v63  }
0x38: {  	_ =	swait.ge [sflag:s20], $0x800  }
0x39: {  	[sflag:s20] =	ssyncset.done $0x0  }
0x3a: {  	s25 =	simm.s32 $0xAA00;
	[sflag:s20] =	ssyncadd.s32 $0xFFFFF800  }
0x3b: {  	[spmem:s2] =	stream.indirect.scatter.add.f32 [tilespmem:s16], [sflag:$0x1], $0x10, s25, s15, $0xb8;
	[tilespmem:$0xD000] =	vst v63  }
0x3c: {  	_ =	swait.ge [sflag:s21], $0x800  }
0x3d: {  	[sflag:s21] =	ssyncset.done $0x0  }
0x3e: {  	s30 =	simm.s32 $0xAA80;
	[sflag:s21] =	ssyncadd.s32 $0xFFFFF800  }
0x3f: {  	[spmem:s2] =	stream.indirect.scatter.add.f32 [tilespmem:s16], [sflag:$0x2], $0x10, s30, s15, $0xb8;
	[tilespmem:$0xD000] =	vst v63  }
0x40: {  	_ =	swait.ge [sflag:s22], $0x800  }
0x41: {  	[sflag:s22] =	ssyncset.done $0x0  }
0x42: {  	s31 =	simm.s32 $0xAB00;
	[sflag:s22] =	ssyncadd.s32 $0xFFFFF800  }
0x43: {  	[spmem:s2] =	stream.indirect.scatter.add.f32 [tilespmem:s16], [sflag:$0x3], $0x10, s31, s15, $0xb8;
	[tilespmem:$0xD000] =	vst v63  }
0x44: {  	_ =	swait.ge [sflag:s23], $0x800  }
0x45: {  	[sflag:s23] =	ssyncset.done $0x0  }
0x46: {  	s26 =	simm.s32 $0xAB80;
	s25 =	simm.s32 $0xFFFF7000;
	[sflag:s23] =	ssyncadd.s32 $0xFFFFF800  }
.LBB2_4:
0x47: {  	[spmem:s2] =	stream.indirect.scatter.add.f32 [tilespmem:s16], [sflag:$0x4], $0x10, s26, s15, $0xb8;
	[tilespmem:$0xD000] =	vst v63  }
0x48: {  	s26 =	smov.u32 s25  }
0x49: {  	p0 =	sne.s32 s25, $0xFFFFF800;
	s25 =	sadd.s32 $0x800, s25;
	_ =	swait.ge [sflag:s20], $0x800  }
0x4a: {  	s26 =	sshra.s32 s26, $0x2;
	[sflag:s20] =	ssyncset.done $0x0  }
0x4b: {  	s28 =	sadd.s32 $0xD000, s26;
	[sflag:s20] =	ssyncadd.s32 $0xFFFFF800  }
0x4c: {  	[spmem:s2] =	stream.indirect.scatter.add.f32 [tilespmem:s16], [sflag:$0x1], $0x10, s28, s15, $0xb8;
	[tilespmem:$0xD000] =	vst v63  }
0x4d: {  	_ =	swait.ge [sflag:s21], $0x800  }
0x4e: {  	[sflag:s21] =	ssyncset.done $0x0  }
0x4f: {  	s28 =	sadd.s32 $0xD080, s26;
	[sflag:s21] =	ssyncadd.s32 $0xFFFFF800  }
0x50: {  	[spmem:s2] =	stream.indirect.scatter.add.f32 [tilespmem:s16], [sflag:$0x2], $0x10, s28, s15, $0xb8;
	[tilespmem:$0xD000] =	vst v63  }
0x51: {  	_ =	swait.ge [sflag:s22], $0x800  }
0x52: {  	[sflag:s22] =	ssyncset.done $0x0  }
.Ltmp1:
0x53: {  	s28 =	sadd.s32 $0xD100, s26;
	[sflag:s22] =	ssyncadd.s32 $0xFFFFF800;
	(pc) =	sbr.rel @p0 .LBB2_4-.Ltmp1, $4  }
0x54: {  	[spmem:s2] =	stream.indirect.scatter.add.f32 [tilespmem:s16], [sflag:$0x3], $0x10, s28, s15, $0xb8;
	[tilespmem:$0xD000] =	vst v63  }
0x55: {  	_ =	swait.ge [sflag:s23], $0x800  }
0x56: {  	[sflag:s23] =	ssyncset.done $0x0  }
0x57: {  	s26 =	sadd.s32 $0xD180, s26;
	[sflag:s23] =	ssyncadd.s32 $0xFFFFF800  }
0x58: {  	[spmem:s2] =	stream.indirect.scatter.add.f32 [tilespmem:s16], [sflag:$0x4], $0x10, s26, s15, $0xb8;
	[tilespmem:$0xD000] =	vst v63  }
0x59: {  	_ =	swait.ge [sflag:s20], $0x800  }
0x5a: {  	[sflag:s20] =	ssyncset.done $0x0  }
0x5b: {  	[sflag:s20] =	ssyncadd.s32 $0xFFFFF800  }
0x5c: {  	_ =	swait.ge [sflag:s21], $0x800  }
0x5d: {  	[sflag:s21] =	ssyncset.done $0x0  }
0x5e: {  	[sflag:s21] =	ssyncadd.s32 $0xFFFFF800  }
0x5f: {  	_ =	swait.ge [sflag:s22], $0x800  }
0x60: {  	[sflag:s22] =	ssyncset.done $0x0  }
0x61: {  	[sflag:s22] =	ssyncadd.s32 $0xFFFFF800  }
0x62: {  	_ =	swait.ge [sflag:s23], $0x800  }
0x63: {  	s25 =	sshll.u32 s1, $0x6;
	s24 =	sadd.s32 $0x1, s24;
	[sflag:s23] =	ssyncset.done $0x0  }
0x64: {  	s31 =	sshrl.u32 s4, $0x3;
	p0 =	sne.s32 s24, s7;
	[sflag:s23] =	ssyncadd.s32 $0xFFFFF800  }
.Ltmp2:
0x65: {  	s25 =	sor.u32 $0x1C05, s25;
	[bflag:$0x0] =	sbarrier.arrive $0xFFFF;
	(pc) =	sbr.rel @p0 .LBB2_1-.Ltmp2, $4  }
0x66: {  	[hbm:s6], [sflag:s25] =	dma.local [spmem:s31], $0x2800  }
0x67: {  	_ =	swait.ge [sflag:s13], $0x2800  }
0x68: {  	[sflag:s13] =	ssyncset.done $0x0  }
0x69: {  	[sflag:s13] =	ssyncadd.s32 $0xFFFFD800  }
0x6a: {  	_ =	sfence.sel $0x180000  }
0x6b: {  	[bflag:$0x0] =	sbarrier.arrive $0xFFFF  }
0x6c: {  	p0 =	sne.s32 s1, $0x0;
	_ =	strace $0x90000047  }
0x6d: {  	s0 =	sadd.s32 @!p0 $0x100000, s0;
	[bflag:$0x2] =	sbarrier.arrive $0xFFFF  }
0x6e: {  	[sflag:s0] =	ssyncadd.tile.s32 @!p0 $0x1;
	_ =	shalt  }
.Lfunc_end2:
_tile_overlayer_lowered:
.L_overlay_start_2:
0x6f: {  	(tag) =	ssettag $0x2  }
0x70: {  	s0 =	rddreg [dreg:$0x0];
	s2 =	stileid.u32  }
0x71: {  	s1 =	rddreg [dreg:$0x1];
	p0 =	sne.s32 s2, $0x0  }
0x72: {  	s3 =	rddreg [dreg:$0x2];
	[bflag:$0x3] =	sbarrier.arrive $0xFFFF;
	s2 =	simm.s32 @!p0 $0x1C05  }
0x73: {  	[timem:s3], [sflag:s2] =	dma.local @!p0 [hbm:s0], s1  }
0x74: {  	s0 =	simm.s32 @!p0 $0x5  }
0x75: {  	_ =	swait.ge @!p0 [sflag:s0], s1  }
0x76: {  	s1 =	ssub.s32 @!p0 $0x0, s1;
	[sflag:s0] =	ssyncset.done @!p0 $0x0  }
0x77: {  	[sflag:s0] =	ssyncadd.s32 @!p0 s1  }
0x78: {  	[bflag:$0x3] =	sbarrier.arrive $0xFFFF  }
0x79: {  	_ =	shalt  }

// kernel: kernel.9.cloned.1.call-start
scs
__scs_entry_jumppad:
0x0: {  	(pc) =	sbr.rel $0x88, $3  }
0x1: {  	(tag) =	ssettag $0x0;
	lr =	simm.s32 $0x1  }
0x2: {  	[smem:$0x3F9D] =	sst lr;
	_ =	strace $0xD0000000  }
0x3: {  	_ = 	snop  }
0x4: {  	_ = 	snop  }
0x5: {  	_ = 	snop  }
0x6: {  	_ = 	snop  }
0x7: {  	_ = 	snop  }
__scs_overlays_trampoline_lowered:
0x8: {  	[smem:$0x3FAC] =	sst s0  }
0x9: {  	[smem:$0x3FAD] =	sst s1  }
0xa: {  	[smem:$0x3FAE] =	sst s2  }
0xb: {  	[smem:$0x3FAF] =	sst s3  }
0xc: {  	[smem:$0x3FB0] =	sst s4  }
0xd: {  	[smem:$0x3FB1] =	sst s5  }
0xe: {  	[smem:$0x3FB2] =	sst s6  }
0xf: {  	[smem:$0x3FB3] =	sst s7  }
0x10: {  	[smem:$0x3FB4] =	sst s8  }
0x11: {  	[smem:$0x3FB5] =	sst s9;
	s0 =	simm.s32 @!p0 $0x0  }
0x12: {  	s1 =	sld [smem:$0x3F9B];
	s0 =	simm.s32 @p0 $0x1  }
0x13: {  	[smem:$0x3FB6] =	sst s0;
	s0 =	simm.s32 @!p1 $0x0  }
0x14: {  	s2 =	sld [smem:$0x3F9A];
	s0 =	simm.s32 @p1 $0x1  }
0x15: {  	[smem:$0x3FB7] =	sst s0;
	s0 =	simm.s32 @!p2 $0x0  }
0x16: {  	s3 =	sld [smem:$0x3FDB];
	s0 =	simm.s32 @p2 $0x1  }
0x17: {  	s4 =	simm.s32 $0x1BF5;
	[smem:$0x3FB9] =	sst s0  }
0x18: {  	s0 =	sld [smem:$0x3F9C];
	_ =	swait.ge [sflag:s4], $0x0  }
0x19: {  	s7 =	sld [smem:$0x3F9D]  }
0x1a: {  	s8 =	sadd.s32 $0xFFFFE003, lr  }
0x1b: {  	s9 =	sadd.s32 $0xFFFFFEF7, lr;
	s5 =	simm.s32 $0xFFFFFFFF;
	p2 =	slt.u32 s8, $0xFFFFF086  }
0x1c: {  	p1 =	slt.u32 s9, $0xF7A;
	s5 =	simm.s32 @!p2 $0x0  }
0x1d: {  	s5 =	simm.s32 @p1 $0x1;
	p0 =	seq.s32 s7, s2  }
0x1e: {  	s7 =	smul.u32 @!p0 $0xF7A, s2;
	p2 =	seq.s32 @!p0 s5, $0x0  }
0x1f: {  	s9 =	smul.u32 $0xF7A, s1;
	s8 =	simm.s32 @!p0 $0x1BF5;
	p2 =	por !p2, p0  }
0x20: {  	[sflag:s8] =	ssyncset.s32 @!p0 $0xFFFFF086;
	s6 =	sadd.s32 @!p0 s3, s7;
	s7 =	simm.s32 @!p0 $0x108  }
0x21: {  	s3 =	sadd.s32 s3, s9;
	s6 =	sadd.s32 @!p0 $0x88, s6;
	s7 =	simm.s32 @p2 $0x1082  }
0x22: {  	[simem:s7], [sflag:s8] =	dma.local @!p0 [hbm:s6], $0xF7A  }
0x23: {  	s9 =	sor.u32 $0xD0000000, s2;
	s6 =	simm.s32 $0x108;
	_ =	swait.ge @!p0 [sflag:s8], $0x0  }
0x24: {  	s3 =	sadd.s32 $0x88, s3;
	s6 =	simm.s32 @!p1 $0x1082;
	[sflag:s4] =	ssyncset.s32 $0xFFFFF086  }
0x25: {  	[simem:s6], [sflag:s4] =	dma.local [hbm:s3], $0xF7A  }
0x26: {  	[smem:$0x3F9D] =	sst s1;
	(tag) =	ssettag s2;
	_ =	strace s9  }
0x27: {  	s1 =	sld [smem:$0x3FAD]  }
0x28: {  	s2 =	sld [smem:$0x3FAE]  }
0x29: {  	s4 =	sld [smem:$0x3FB0]  }
0x2a: {  	p0 =	seq.s32 s5, $0x0;
	s5 =	sld [smem:$0x3FB1]  }
0x2b: {  	s6 =	sld [smem:$0x3FB2]  }
0x2c: {  	s7 =	sld [smem:$0x3FB3]  }
0x2d: {  	s3 =	simm.s32 $0x108;
	s8 =	sld [smem:$0x3FB4]  }
0x2e: {  	s3 =	simm.s32 @!p0 $0x1082;
	s9 =	sld [smem:$0x3FB5]  }
0x2f: {  	lr =	sadd.s32 s0, s3;
	s0 =	sld [smem:$0x3FAC]  }
0x30: {  	s3 =	sld [smem:$0x3FAF]  }
0x31: {  	[smem:$0x3FB8] =	sst s10  }
0x32: {  	s10 =	sld [smem:$0x3FB6];
	_ =	sdelay $0x3  }
0x33: {  	p0 =	seq.s32 s10, $0x1;
	s10 =	sld [smem:$0x3FB8];
	_ =	sdelay $0x3  }
0x34: {  	[smem:$0x3FB8] =	sst s10  }
0x35: {  	s10 =	sld [smem:$0x3FB7];
	_ =	sdelay $0x3  }
0x36: {  	p1 =	seq.s32 s10, $0x1;
	s10 =	sld [smem:$0x3FB8];
	_ =	sdelay $0x3  }
0x37: {  	[smem:$0x3FB8] =	sst s10  }
0x38: {  	s10 =	sld [smem:$0x3FB9]  }
0x39: {  	_ = 	snop;
	(pc) =	sbr.ind lr, $3  }
0x3a: {  	_ = 	snop  }
0x3b: {  	_ = 	snop  }
0x3c: {  	p2 =	seq.s32 s10, $0x1;
	s10 =	sld [smem:$0x3FB8]  }
0x3d: {  	_ =	shalt  }
0x3e: {  	_ =	shalt  }
0x3f: {  	_ =	shalt  }
0x40: {  	_ =	shalt  }
0x41: {  	_ =	shalt  }
0x42: {  	_ =	shalt  }
0x43: {  	_ =	shalt  }
0x44: {  	_ =	shalt  }
0x45: {  	_ =	shalt  }
0x46: {  	_ =	shalt  }
0x47: {  	_ =	shalt  }
0x48: {  	_ =	shalt  }
0x49: {  	_ =	shalt  }
0x4a: {  	_ =	shalt  }
0x4b: {  	_ =	shalt  }
0x4c: {  	_ =	shalt  }
0x4d: {  	_ =	shalt  }
0x4e: {  	_ =	shalt  }
0x4f: {  	_ =	shalt  }
0x50: {  	_ =	shalt  }
0x51: {  	_ =	shalt  }
0x52: {  	_ =	shalt  }
0x53: {  	_ =	shalt  }
0x54: {  	_ =	shalt  }
0x55: {  	_ =	shalt  }
0x56: {  	_ =	shalt  }
0x57: {  	_ =	shalt  }
0x58: {  	_ =	shalt  }
0x59: {  	_ =	shalt  }
0x5a: {  	_ =	shalt  }
0x5b: {  	_ =	shalt  }
0x5c: {  	_ =	shalt  }
0x5d: {  	_ =	shalt  }
0x5e: {  	_ =	shalt  }
0x5f: {  	_ =	shalt  }
0x60: {  	_ =	shalt  }
0x61: {  	_ =	shalt  }
0x62: {  	_ =	shalt  }
0x63: {  	_ =	shalt  }
0x64: {  	_ =	shalt  }
0x65: {  	_ =	shalt  }
0x66: {  	_ =	shalt  }
0x67: {  	_ =	shalt  }
0x68: {  	_ =	shalt  }
0x69: {  	_ =	shalt  }
0x6a: {  	_ =	shalt  }
0x6b: {  	_ =	shalt  }
0x6c: {  	_ =	shalt  }
0x6d: {  	_ =	shalt  }
0x6e: {  	_ =	shalt  }
0x6f: {  	_ =	shalt  }
0x70: {  	_ =	shalt  }
0x71: {  	_ =	shalt  }
0x72: {  	_ =	shalt  }
0x73: {  	_ =	shalt  }
0x74: {  	_ =	shalt  }
0x75: {  	_ =	shalt  }
0x76: {  	_ =	shalt  }
0x77: {  	_ =	shalt  }
0x78: {  	_ =	shalt  }
0x79: {  	_ =	shalt  }
0x7a: {  	_ =	shalt  }
0x7b: {  	_ =	shalt  }
0x7c: {  	_ =	shalt  }
0x7d: {  	_ =	shalt  }
0x7e: {  	_ =	shalt  }
0x7f: {  	_ =	shalt  }
0x80: {  	_ =	shalt  }
0x81: {  	_ =	shalt  }
0x82: {  	_ =	shalt  }
0x83: {  	_ =	shalt  }
0x84: {  	_ =	shalt  }
0x85: {  	_ =	shalt  }
0x86: {  	_ =	shalt  }
0x87: {  	_ =	shalt  }
.Lfunc_end0:
.L_simem_size_0:
called_computation.1_lowered:
.L_overlay_start_0:
0x88: {  	s2 =	sld [smem:$0x3FD9]  }
0x89: {  	s3 =	sld [smem:$0x3FFE];
	_ =	sdelay $0x1  }
0x8a: {  	s1 =	srdreg.scid  }
0x8b: {  	s0 =	sand.u32 $0x1, s1  }
0x8c: {  	s17 =	sshll.u32 s0, $0xA;
	s2 =	sadd.s32 s3, s2  }
0x8d: {  	s2 =	sadd.s32 s2, s17  }
0x8e: {  	[smem:$0x3FC4] =	sst s2  }
0x8f: {  	_ = 	snop  }
0x90: {  	s2 =	sld [smem:$0x3FD0];
	(tm) =	ssettm $0x1  }
0x91: {  	s18 =	sld [smem:$0x3FFB];
	_ =	sdelay $0x3  }
0x92: {  	_ =	strace s18  }
0x93: {  	s3 =	sld [smem:$0x3FFC];
	_ =	sdelay $0x3  }
0x94: {  	_ =	strace s3  }
0x95: {  	s3 =	sld [smem:$0x3FFD];
	_ =	sdelay $0x3  }
0x96: {  	_ =	strace s3  }
0x97: {  	_ =	strace $0x8FFFFFFF  }
0x98: {  	s19 =	sld [smem:$0x3FDB];
	_ =	sdelay $0x1  }
0x99: {  	s4 =	simm.s32 $_scs_section_size  }
0x9a: {  	s5 =	simm.s32 $_size__tile_overlayer_lowered;
	s6 =	simm.s32 $_tile_overlayer_lowered  }
0x9b: {  	s22 =	simm.s32 $0x1BFF;
	s21 =	sshll.u32 s6, $0x1;
	s3 =	sadd.s32 s4, s19  }
0x9c: {  	s7 =	simm.s32 $0x0;
	s20 =	sshll.u32 s5, $0x1;
	s5 =	sadd.s32 s21, s3  }
0x9d: {  	[timem:s7], [sflag:s22] =	dma.local [hbm:s5], s20  }
0x9e: {  	_ =	swait.ge [sflag:s22], s20  }
0x9f: {  	s4 =	ssub.s32 $0x0, s20;
	[sflag:s22] =	ssyncset.done $0x0  }
0xa0: {  	[sflag:s22] =	ssyncadd.s32 s4;
	_ =	sdelay $0x1  }
0xa1: {  	s23 =	simm.s32 $0x1B8B  }
0xa2: {  	_ =	swait.ge [sflag:s23], $0x1  }
0xa3: {  	[sflag:s23] =	ssyncset.done $0x0  }
0xa4: {  	s25 =	simm.s32 $0x1B8E;
	s24 =	sld [smem:$0x3FFE];
	[sflag:s23] =	ssyncadd.s32 $0xFFFFFFFF  }
0xa5: {  	s26 =	simm.s32 $execute0_lowered;
	[smem:$0x3FD2] =	sst s25  }
0xa6: {  	s5 =	sshll.u32 s26, $0x1;
	_ =	strace $0x80000049;
	[dreg:$0x1] =	wrdreg $0xFFFFFFFF  }
0xa7: {  	s28 =	simm.s32 $_size_execute0_lowered;
	s3 =	sadd.s32 s3, s5;
	[dreg:$0x0] =	wrdreg $0x0  }
0xa8: {  	s5 =	sshll.u32 s28, $0x1;
	[dreg:$0x2] =	wrdreg s3  }
0xa9: {  	[dreg:$0x3] =	wrdreg s5  }
0xaa: {  	[dreg:$0x4] =	wrdreg $0xC0  }
0xab: {  	_ =	task [dreg:s7], $0x5FFFF  }
0xac: {  	[dreg:$0x1] =	wrdreg $0xFFFFFFFF  }
0xad: {  	[dreg:$0x0] =	wrdreg $0x60  }
0xae: {  	[dreg:$0x2] =	wrdreg s2  }
0xaf: {  	[dreg:$0x3] =	wrdreg s24  }
0xb0: {  	[dreg:$0x4] =	wrdreg $0x0  }
0xb1: {  	[dreg:$0x5] =	wrdreg $0x9  }
0xb2: {  	_ =	task.clear_ibuf [dreg:s7], $0x6FFFF;
	_ =	strace $0x90000049  }
0xb3: {  	s29 =	simm.s32 $0x9;
	_ =	strace $0x8000004B  }
0xb4: {  	_ =	swait.ge [sflag:s29], $0x1  }
0xb5: {  	[sflag:s29] =	ssyncadd.s32 $0xFFFFFFFF  }
0xb6: {  	_ =	strace $0x9000004B  }
0xb7: {  	_ =	sfence  }
0xb8: {  	s30 =	sld [smem:$0x0];
	_ =	sdelay $0x2  }
0xb9: {  	s31 =	sshll.u32 s1, $0xD;
	s1 =	sshrl.u32 s1, $0x2  }
0xba: {  	s3 =	sand.u32 $0x4000, s31;
	s1 =	sadd.s32 s1, s30  }
0xbb: {  	s0 =	sor.u32 s3, s0;
	s1 =	sshll.u32 s1, $0x11  }
0xbc: {  	s0 =	sor.u32 s1, s0  }
0xbd: {  	s0 =	sadd.s32 $0x8F2B, s0  }
0xbe: {  	[sflag:s0] =	ssyncadd.remote.s32 $0x1  }
0xbf: {  	_ =	sfence.sel $0xFFFF  }
0xc0: {  	[dreg:$0x0] =	wrdreg $0xFFFFFFFF;
	(pc) =	sbr.abs _section_cstart, $3  }
0xc1: {  	[dreg:$0x1] =	wrdreg $0xFFFFFFFF  }
0xc2: {  	_ =	task.clear_ibuf [dreg:s7], $0x2FFFF;
	_ =	strace $0x9FFFFFFF  }
0xc3: {  	(tm) =	ssettm $0x7FFFFFFF  }
tec
execute0_lowered:
.L_overlay_start_1:
0x0: {  	(tag) =	ssettag $0x1  }
0x1: {  	s0 =	rddreg [dreg:$0x0];
	s9 =	stileid.u32  }
0x2: {  	s2 =	srdreg.scid;
	s5 =	smul.u32 $0x14000, s9  }
0x3: {  	s2 =	sand.u32 $0x1, s2;
	s22 =	smul.u32 $0x50000, s9;
	s9 =	sshll.u32 s9, $0x1  }
0x4: {  	s4 =	smul.u32 $0x140000, s2;
	s24 =	ssub.s32 $0x2, s2;
	s2 =	sor.u32 s2, s9  }
0x5: {  	s1 =	rddreg [dreg:$0x1];
	s12 =	smul.u32 $0x140, s2  }
0x6: {  	s3 =	rddreg [dreg:$0x2];
	s6 =	simm.s32 $0x0;
	s17 =	smul.u32 $0x500, s2  }
0x7: {  	s28 =	simm.s32 $0x9;
	s29 =	simm.s32 $0xA;
	s2 =	smul.u32 $0x1400, s2  }
0x8: {  	s7 =	sadd.s32 $0x5BE00, s1;
	s4 =	sadd.s32 s5, s4;
	s5 =	sshrl.u32 s22, $0x2  }
0x9: {  	[smem:$0x7FF] =	sst s6;
	s5 =	sadd.s32 s5, s3;
	s2 =	sadd.s32 s7, s2  }
0xa: {  	_ =	strace $0x8000004A;
	s25 =	sadd.s32 $0x1000, s5;
	[dreg:$0x13] =	wrdreg s2  }
0xb: {  	s30 =	simm.s32 $0x0;
	s26 =	sadd.s32 $0x2000, s5;
	[dreg:$0x4] =	wrdreg s25  }
0xc: {  	s23 =	sadd.s32 $0x1E00, s1;
	s31 =	sadd.s32 $0x3000, s5;
	[dreg:$0x5] =	wrdreg s26  }
0xd: {  	s8 =	sshrl.u32 s24, $0x1;
	s9 =	sadd.s32 $0x4000, s5;
	[dreg:$0x6] =	wrdreg s31  }
0xe: {  	s4 =	sshrl.u32 s4, $0x3;
	s10 =	sadd.s32 $0x5000, s5;
	[dreg:$0x7] =	wrdreg s9  }
0xf: {  	s1 =	sadd.s32 s4, s1;
	s11 =	sadd.s32 $0x6000, s5;
	[dreg:$0x8] =	wrdreg s10  }
0x10: {  	s4 =	ssub.s32 s24, s8;
	s13 =	sadd.s32 $0x7000, s5;
	[dreg:$0x9] =	wrdreg s11  }
0x11: {  	s14 =	sadd.s32 $0x8000, s5;
	s15 =	sadd.s32 $0x9000, s5;
	[dreg:$0xa] =	wrdreg s13  }
0x12: {  	s16 =	sadd.s32 $0xA000, s5;
	s8 =	sadd.s32 $0xA0, s12;
	[dreg:$0xb] =	wrdreg s14  }
0x13: {  	s19 =	sadd.s32 $0xD000, s5;
	s21 =	sadd.s32 $0xE000, s5;
	[dreg:$0xc] =	wrdreg s15  }
0x14: {  	s24 =	sadd.s32 $0x10000, s5;
	s12 =	simm.s32 $0x2;
	[dreg:$0xd] =	wrdreg s16  }
0x15: {  	s10 =	sadd.s32 $0xB000, s5;
	s18 =	sshll.u32 s8, $0x2;
	[dreg:$0x12] =	wrdreg s19  }
0x16: {  	s11 =	sadd.s32 $0xC000, s5;
	s9 =	sadd.s32 s23, s17;
	[dreg:$0x15] =	wrdreg s21  }
0x17: {  	s20 =	sshll.u32 s8, $0x4;
	s1 =	sadd.s32 $0x83E00, s1;
	[dreg:$0x19] =	wrdreg s24  }
0x18: {  	s22 =	smax.u32 s4, $0x1;
	s25 =	sadd.s32 $0x11000, s5;
	[dreg:$0xe] =	wrdreg s10  }
0x19: {  	s26 =	sadd.s32 $0x12000, s5;
	s31 =	sadd.s32 $0x13000, s5;
	[dreg:$0xf] =	wrdreg s11  }
0x1a: {  	s4 =	simm.s32 $0x14000;
	s14 =	simm.s32 $0x1D400;
	[dreg:$0x10] =	wrdreg s9  }
0x1b: {  	s15 =	simm.s32 $0x3;
	s17 =	simm.s32 $0x6;
	[dreg:$0x16] =	wrdreg s1  }
0x1c: {  	s19 =	simm.s32 $0x4;
	s21 =	simm.s32 $0x7;
	[dreg:$0x17] =	wrdreg s22  }
0x1d: {  	s24 =	simm.s32 $0x15580;
	s6 =	sadd.s32 s23, s18;
	[dreg:$0x1a] =	wrdreg s25  }
0x1e: {  	s2 =	sadd.s32 s7, s20;
	s23 =	sadd.s32 $0xF000, s5;
	[dreg:$0x1b] =	wrdreg s26  }
.Ltmp0:
0x1f: {  	[dreg:$0x1c] =	wrdreg s31;
	s1 =	simm.s32 $0x1A400;
	(pc) =	sbr.rel .LBB2_1-.Ltmp0, $4  }
0x20: {  	s7 =	simm.s32 $0x20;
	s9 =	simm.s32 $0x1B400;
	[dreg:$0x11] =	wrdreg s6  }
0x21: {  	s11 =	simm.s32 $0x1C400;
	s22 =	simm.s32 $0x140A0;
	[dreg:$0x14] =	wrdreg s2  }
0x22: {  	s25 =	simm.s32 $0x8;
	s26 =	simm.s32 $0x140C0;
	[dreg:$0x18] =	wrdreg s23  }
0x23: {  	v0 =	vimm.f32 $0.0e+00;
	s2 =	simm.s32 $0x1;
	s6 =	simm.s32 $0x15400;
	s23 =	simm.s32 $0x5  }
.LBB2_9:
0x24: {  	_ =	swait.ge [sflag:s17], $0x1000  }
0x25: {  	[sflag:s17] =	ssyncset.done $0x0  }
0x26: {  	[sflag:s17] =	ssyncadd.s32 $0xFFFFF000  }
0x27: {  	_ =	swait.ge [sflag:s21], $0x1000  }
0x28: {  	[sflag:s21] =	ssyncset.done $0x0  }
0x29: {  	[sflag:s21] =	ssyncadd.s32 $0xFFFFF000  }
0x2a: {  	_ =	swait.ge [sflag:s25], $0x1000  }
0x2b: {  	[sflag:s25] =	ssyncset.done $0x0  }
0x2c: {  	[sflag:s25] =	ssyncadd.s32 $0xFFFFF000  }
0x2d: {  	_ =	swait.ge [sflag:s28], $0x1000  }
0x2e: {  	[sflag:s28] =	ssyncset.done $0x0  }
0x2f: {  	s8 =	stileid.u32;
	[sflag:s28] =	ssyncadd.s32 $0xFFFFF000  }
0x30: {  	s8 =	sshll.u32 s8, $0x6;
	[bflag:$0x0] =	sbarrier.arrive $0xFFFF  }
0x31: {  	s10 =	sshrl.u32 s5, $0x3;
	s8 =	sor.u32 $0x1C0A, s8;
	s13 =	rddreg [dreg:$0x16]  }
0x32: {  	[hbm:s13], [sflag:s8] =	dma.local [spmem:s10], $0x2800  }
0x33: {  	_ =	swait.ge [sflag:s29], $0x2800  }
0x34: {  	s30 =	sadd.s32 $0x1, s30;
	s31 =	rddreg [dreg:$0x17]  }
0x35: {  	p0 =	sne.s32 s30, s31  }
.Ltmp1:
0x36: {  	_ = 	snop;
	(pc) =	sbr.rel @!p0 .LBB2_10-.Ltmp1, $3  }
0x37: {  	_ =	sdelay $0x1  }
0x38: {  	[sflag:s29] =	ssyncset.done $0x0  }
0x39: {  	[sflag:s29] =	ssyncadd.s32 $0xFFFFD800  }
.LBB2_1:
0x3a: {  	s10 =	simm.s32 $0x0  }
0x3b: {  	s8 =	sand.u32 $0x3E00, s10  }
0x3c: {  	s10 =	sand.u32 $0x70, s10;
	s31 =	sshrl.u32 s8, $0x2  }
0x3d: {  	s8 =	simm.s32 $0x40;
	s31 =	sor.u32 s10, s31;
	s10 =	simm.s32 $0x0  }
.LBB2_2:
0x3e: {  	p0 =	sne.s32 s8, $0x3FC0  }
0x3f: {  	[tilespmem:s31+$0x1A400] =	vst v0;
	s10 =	sadd.s32 $0x10, s10;
	s31 =	smov.u32 s8;
	s8 =	sadd.s32 $0x40, s8  }
.Ltmp2:
0x40: {  	(pc) =	sbr.rel @p0 .LBB2_2-.Ltmp2, $4  }
0x41: {  	_ = 	snop  }
0x42: {  	s31 =	sand.u32 $0x3E00, s31  }
0x43: {  	s13 =	sand.u32 $0x70, s10;
	s31 =	sshrl.u32 s31, $0x2  }
0x44: {  	s31 =	sor.u32 s13, s31  }
0x45: {  	[tilespmem:s31+$0x1A400] =	vst v0  }
0x46: {  	[spmem:s5] =	stream.linear.scatter [tilespmem:s1], [sflag:$0x1], $0x1000, $0x38;
	[tilespmem:$0x1E400] =	vst v63  }
0x47: {  	s8 =	rddreg [dreg:$0x4]  }
0x48: {  	[spmem:s8] =	stream.linear.scatter [tilespmem:s1], [sflag:$0x1], $0x1000, $0x38;
	[tilespmem:$0x1E400] =	vst v63  }
0x49: {  	s20 =	rddreg [dreg:$0x5]  }
0x4a: {  	[spmem:s20] =	stream.linear.scatter [tilespmem:s1], [sflag:$0x1], $0x1000, $0x38;
	[tilespmem:$0x1E400] =	vst v63  }
0x4b: {  	s10 =	rddreg [dreg:$0x6]  }
0x4c: {  	[spmem:s10] =	stream.linear.scatter [tilespmem:s1], [sflag:$0x1], $0x1000, $0x38;
	[tilespmem:$0x1E400] =	vst v63  }
0x4d: {  	s13 =	rddreg [dreg:$0x7]  }
0x4e: {  	[spmem:s13] =	stream.linear.scatter [tilespmem:s1], [sflag:$0x1], $0x1000, $0x38;
	[tilespmem:$0x1E400] =	vst v63  }
0x4f: {  	s16 =	rddreg [dreg:$0x8]  }
0x50: {  	[spmem:s16] =	stream.linear.scatter [tilespmem:s1], [sflag:$0x1], $0x1000, $0x38;
	[tilespmem:$0x1E400] =	vst v63  }
0x51: {  	s18 =	rddreg [dreg:$0x9]  }
0x52: {  	[spmem:s18] =	stream.linear.scatter [tilespmem:s1], [sflag:$0x1], $0x1000, $0x38;
	[tilespmem:$0x1E400] =	vst v63  }
0x53: {  	s20 =	rddreg [dreg:$0xa]  }
0x54: {  	[spmem:s20] =	stream.linear.scatter [tilespmem:s1], [sflag:$0x1], $0x1000, $0x38;
	[tilespmem:$0x1E400] =	vst v63  }
0x55: {  	s10 =	rddreg [dreg:$0xb]  }
0x56: {  	[spmem:s10] =	stream.linear.scatter [tilespmem:s1], [sflag:$0x1], $0x1000, $0x38;
	[tilespmem:$0x1E400] =	vst v63  }
0x57: {  	s13 =	rddreg [dreg:$0xc]  }
0x58: {  	[spmem:s13] =	stream.linear.scatter [tilespmem:s1], [sflag:$0x1], $0x1000, $0x38;
	[tilespmem:$0x1E400] =	vst v63  }
0x59: {  	s16 =	rddreg [dreg:$0xd]  }
0x5a: {  	[spmem:s16] =	stream.linear.scatter [tilespmem:s1], [sflag:$0x1], $0x1000, $0x38;
	[tilespmem:$0x1E400] =	vst v63  }
0x5b: {  	s18 =	rddreg [dreg:$0xe]  }
0x5c: {  	[spmem:s18] =	stream.linear.scatter [tilespmem:s1], [sflag:$0x1], $0x1000, $0x38;
	[tilespmem:$0x1E400] =	vst v63  }
0x5d: {  	s20 =	rddreg [dreg:$0xf]  }
0x5e: {  	[spmem:s20] =	stream.linear.scatter [tilespmem:s1], [sflag:$0x1], $0x1000, $0x38;
	[tilespmem:$0x1E400] =	vst v63  }
0x5f: {  	s10 =	rddreg [dreg:$0x12]  }
0x60: {  	[spmem:s10] =	stream.linear.scatter [tilespmem:s1], [sflag:$0x1], $0x1000, $0x38;
	[tilespmem:$0x1E400] =	vst v63  }
0x61: {  	s13 =	rddreg [dreg:$0x15]  }
0x62: {  	[spmem:s13] =	stream.linear.scatter [tilespmem:s1], [sflag:$0x1], $0x1000, $0x38;
	[tilespmem:$0x1E400] =	vst v63  }
0x63: {  	s16 =	rddreg [dreg:$0x18]  }
0x64: {  	[spmem:s16] =	stream.linear.scatter [tilespmem:s1], [sflag:$0x1], $0x1000, $0x38;
	[tilespmem:$0x1E400] =	vst v63  }
0x65: {  	s18 =	rddreg [dreg:$0x19]  }
0x66: {  	[spmem:s18] =	stream.linear.scatter [tilespmem:s1], [sflag:$0x1], $0x1000, $0x38;
	[tilespmem:$0x1E400] =	vst v63  }
0x67: {  	s20 =	rddreg [dreg:$0x1a]  }
0x68: {  	[spmem:s20] =	stream.linear.scatter [tilespmem:s1], [sflag:$0x1], $0x1000, $0x38;
	[tilespmem:$0x1E400] =	vst v63  }
0x69: {  	s10 =	rddreg [dreg:$0x1b]  }
0x6a: {  	[spmem:s10] =	stream.linear.scatter [tilespmem:s1], [sflag:$0x1], $0x1000, $0x38;
	[tilespmem:$0x1E400] =	vst v63  }
0x6b: {  	s13 =	rddreg [dreg:$0x1c]  }
0x6c: {  	[spmem:s13] =	stream.linear.scatter [tilespmem:s1], [sflag:$0x1], $0x1000, $0x38;
	[tilespmem:$0x1E400] =	vst v63  }
0x6d: {  	_ =	swait.ge [sflag:s2], $0x1000  }
0x6e: {  	[sflag:s2] =	ssyncset.done $0x0  }
0x6f: {  	[sflag:s2] =	ssyncadd.s32 $0xFFFFF000  }
0x70: {  	_ =	swait.ge [sflag:s2], $0x1000  }
0x71: {  	[sflag:s2] =	ssyncset.done $0x0  }
0x72: {  	[sflag:s2] =	ssyncadd.s32 $0xFFFFF000  }
0x73: {  	_ =	swait.ge [sflag:s2], $0x1000  }
0x74: {  	[sflag:s2] =	ssyncset.done $0x0  }
0x75: {  	[sflag:s2] =	ssyncadd.s32 $0xFFFFF000  }
0x76: {  	_ =	swait.ge [sflag:s2], $0x1000  }
0x77: {  	[sflag:s2] =	ssyncset.done $0x0  }
0x78: {  	[sflag:s2] =	ssyncadd.s32 $0xFFFFF000  }
0x79: {  	_ =	swait.ge [sflag:s2], $0x1000  }
0x7a: {  	[sflag:s2] =	ssyncset.done $0x0  }
0x7b: {  	[sflag:s2] =	ssyncadd.s32 $0xFFFFF000  }
0x7c: {  	_ =	swait.ge [sflag:s2], $0x1000  }
0x7d: {  	[sflag:s2] =	ssyncset.done $0x0  }
0x7e: {  	[sflag:s2] =	ssyncadd.s32 $0xFFFFF000  }
0x7f: {  	_ =	swait.ge [sflag:s2], $0x1000  }
0x80: {  	[sflag:s2] =	ssyncset.done $0x0  }
0x81: {  	[sflag:s2] =	ssyncadd.s32 $0xFFFFF000  }
0x82: {  	_ =	swait.ge [sflag:s2], $0x1000  }
0x83: {  	[sflag:s2] =	ssyncset.done $0x0  }
0x84: {  	[sflag:s2] =	ssyncadd.s32 $0xFFFFF000  }
0x85: {  	_ =	swait.ge [sflag:s2], $0x1000  }
0x86: {  	[sflag:s2] =	ssyncset.done $0x0  }
0x87: {  	[sflag:s2] =	ssyncadd.s32 $0xFFFFF000  }
0x88: {  	_ =	swait.ge [sflag:s2], $0x1000  }
0x89: {  	[sflag:s2] =	ssyncset.done $0x0  }
0x8a: {  	[sflag:s2] =	ssyncadd.s32 $0xFFFFF000  }
0x8b: {  	_ =	swait.ge [sflag:s2], $0x1000  }
0x8c: {  	[sflag:s2] =	ssyncset.done $0x0  }
0x8d: {  	[sflag:s2] =	ssyncadd.s32 $0xFFFFF000  }
0x8e: {  	_ =	swait.ge [sflag:s2], $0x1000  }
0x8f: {  	[sflag:s2] =	ssyncset.done $0x0  }
0x90: {  	[sflag:s2] =	ssyncadd.s32 $0xFFFFF000  }
0x91: {  	_ =	swait.ge [sflag:s2], $0x1000  }
0x92: {  	[sflag:s2] =	ssyncset.done $0x0  }
0x93: {  	[sflag:s2] =	ssyncadd.s32 $0xFFFFF000  }
0x94: {  	_ =	swait.ge [sflag:s2], $0x1000  }
0x95: {  	[sflag:s2] =	ssyncset.done $0x0  }
0x96: {  	[sflag:s2] =	ssyncadd.s32 $0xFFFFF000  }
0x97: {  	_ =	swait.ge [sflag:s2], $0x1000  }
0x98: {  	[sflag:s2] =	ssyncset.done $0x0  }
0x99: {  	[sflag:s2] =	ssyncadd.s32 $0xFFFFF000  }
0x9a: {  	_ =	swait.ge [sflag:s2], $0x1000  }
0x9b: {  	[sflag:s2] =	ssyncset.done $0x0  }
0x9c: {  	[sflag:s2] =	ssyncadd.s32 $0xFFFFF000  }
0x9d: {  	_ =	swait.ge [sflag:s2], $0x1000  }
0x9e: {  	[sflag:s2] =	ssyncset.done $0x0  }
0x9f: {  	[sflag:s2] =	ssyncadd.s32 $0xFFFFF000  }
0xa0: {  	_ =	swait.ge [sflag:s2], $0x1000  }
0xa1: {  	[sflag:s2] =	ssyncset.done $0x0  }
0xa2: {  	[sflag:s2] =	ssyncadd.s32 $0xFFFFF000  }
0xa3: {  	_ =	swait.ge [sflag:s2], $0x1000  }
0xa4: {  	[sflag:s2] =	ssyncset.done $0x0  }
0xa5: {  	[sflag:s2] =	ssyncadd.s32 $0xFFFFF000  }
0xa6: {  	_ =	swait.ge [sflag:s2], $0x1000  }
0xa7: {  	[sflag:s2] =	ssyncset.done $0x0  }
0xa8: {  	[sflag:s2] =	ssyncadd.s32 $0xFFFFF000  }
0xa9: {  	[bflag:$0x0] =	sbarrier.arrive $0xFFFF  }
0xaa: {  	s8 =	simm.s32 $0x0;
	s10 =	rddreg [dreg:$0x10]  }
0xab: {  	[tilespmem:s4], [sflag:$0x1] =	stream.linear.gather [hbm4b:s10+s8], $0x1400, $0x38;
	[tilespmem:$0x1E400] =	vst v63  }
0xac: {  	s16 =	rddreg [dreg:$0x13]  }
0xad: {  	[tilespmem:s6], [sflag:$0x1] =	stream.linear.gather [hbm4b:s16+s8], $0x5000, $0x38;
	[tilespmem:$0x1E400] =	vst v63  }
0xae: {  	_ =	swait.ge [sflag:s2], $0x1400  }
0xaf: {  	[sflag:s2] =	ssyncset.done $0x0  }
0xb0: {  	[sflag:s2] =	ssyncadd.s32 $0xFFFFEC00  }
0xb1: {  	_ =	swait.ge [sflag:s2], $0x5000  }
0xb2: {  	[sflag:s2] =	ssyncset.done $0x0  }
0xb3: {  	[sflag:s2] =	ssyncadd.s32 $0xFFFFB000  }
0xb4: {  	[tilespmem:s1], [sflag:$0x2] =	stream.indirect.gather [hbm4b:s0+s7], $0x80, s4, s7, $0xb8;
	[tilespmem:$0x1E400] =	vst v63  }
0xb5: {  	s18 =	simm.s32 $0x14020  }
0xb6: {  	[tilespmem:s9], [sflag:$0x3] =	stream.indirect.gather [hbm4b:s0+s7], $0x80, s18, s7, $0xb8;
	[tilespmem:$0x1E400] =	vst v63  }
0xb7: {  	s20 =	simm.s32 $0x14040  }
0xb8: {  	[tilespmem:s11], [sflag:$0x4] =	stream.indirect.gather [hbm4b:s0+s7], $0x80, s20, s7, $0xb8;
	[tilespmem:$0x1E400] =	vst v63  }
0xb9: {  	_ =	swait.ge [sflag:s12], $0x1000  }
0xba: {  	[sflag:s12] =	ssyncset.done $0x0  }
0xbb: {  	[sflag:s12] =	ssyncadd.s32 $0xFFFFF000  }
0xbc: {  	[spmem:s3] =	stream.indirect.scatter.add.f32 [tilespmem:s1], [sflag:$0x6], $0x80, s6, s7, $0xb8;
	[tilespmem:$0x1E400] =	vst v63  }
0xbd: {  	s13 =	simm.s32 $0x14060  }
0xbe: {  	[tilespmem:s14], [sflag:$0x5] =	stream.indirect.gather [hbm4b:s0+s7], $0x80, s13, s7, $0xb8;
	[tilespmem:$0x1E400] =	vst v63  }
0xbf: {  	_ =	swait.ge [sflag:s15], $0x1000  }
0xc0: {  	[sflag:s15] =	ssyncset.done $0x0  }
0xc1: {  	s16 =	simm.s32 $0x15480;
	[sflag:s15] =	ssyncadd.s32 $0xFFFFF000  }
0xc2: {  	[spmem:s3] =	stream.indirect.scatter.add.f32 [tilespmem:s9], [sflag:$0x7], $0x80, s16, s7, $0xb8;
	[tilespmem:$0x1E400] =	vst v63  }
0xc3: {  	_ =	swait.ge [sflag:s17], $0x1000  }
0xc4: {  	[sflag:s17] =	ssyncset.done $0x0  }
0xc5: {  	s18 =	simm.s32 $0x14080;
	[sflag:s17] =	ssyncadd.s32 $0xFFFFF000  }
0xc6: {  	[tilespmem:s1], [sflag:$0x2] =	stream.indirect.gather [hbm4b:s0+s7], $0x80, s18, s7, $0xb8;
	[tilespmem:$0x1E400] =	vst v63  }
0xc7: {  	_ =	swait.ge [sflag:s19], $0x1000  }
0xc8: {  	[sflag:s19] =	ssyncset.done $0x0  }
0xc9: {  	s20 =	simm.s32 $0x15500;
	[sflag:s19] =	ssyncadd.s32 $0xFFFFF000  }
0xca: {  	[spmem:s3] =	stream.indirect.scatter.add.f32 [tilespmem:s11], [sflag:$0x8], $0x80, s20, s7, $0xb8;
	[tilespmem:$0x1E400] =	vst v63  }
0xcb: {  	_ =	swait.ge [sflag:s21], $0x1000  }
0xcc: {  	[sflag:s21] =	ssyncset.done $0x0  }
0xcd: {  	[sflag:s21] =	ssyncadd.s32 $0xFFFFF000  }
0xce: {  	[tilespmem:s9], [sflag:$0x3] =	stream.indirect.gather [hbm4b:s0+s7], $0x80, s22, s7, $0xb8;
	[tilespmem:$0x1E400] =	vst v63  }
0xcf: {  	_ =	swait.ge [sflag:s23], $0x1000  }
0xd0: {  	[sflag:s23] =	ssyncset.done $0x0  }
0xd1: {  	[sflag:s23] =	ssyncadd.s32 $0xFFFFF000  }
0xd2: {  	[spmem:s3] =	stream.indirect.scatter.add.f32 [tilespmem:s14], [sflag:$0x9], $0x80, s24, s7, $0xb8;
	[tilespmem:$0x1E400] =	vst v63  }
0xd3: {  	_ =	swait.ge [sflag:s25], $0x1000  }
0xd4: {  	[sflag:s25] =	ssyncset.done $0x0  }
0xd5: {  	s31 =	simm.s32 $0x15780;
	[sflag:s25] =	ssyncadd.s32 $0xFFFFF000  }
0xd6: {  	[tilespmem:s11], [sflag:$0x4] =	stream.indirect.gather [hbm4b:s0+s7], $0x80, s26, s7, $0xb8;
	[tilespmem:$0x1E400] =	vst v63  }
.LBB2_4:
0xd7: {  	_ =	swait.ge [sflag:s12], $0x1000  }
0xd8: {  	[sflag:s12] =	ssyncset.done $0x0  }
0xd9: {  	s10 =	sadd.s32 $0xFFFFFE80, s31;
	[sflag:s12] =	ssyncadd.s32 $0xFFFFF000  }
0xda: {  	[spmem:s3] =	stream.indirect.scatter.add.f32 [tilespmem:s1], [sflag:$0x6], $0x80, s10, s7, $0xb8;
	[tilespmem:$0x1E400] =	vst v63  }
0xdb: {  	_ =	swait.ge [sflag:s28], $0x1000  }
0xdc: {  	s10 =	sshra.s32 s8, $0x2;
	[sflag:s28] =	ssyncset.done $0x0  }
0xdd: {  	s13 =	sadd.s32 $0x140E0, s10;
	[sflag:s28] =	ssyncadd.s32 $0xFFFFF000  }
0xde: {  	[tilespmem:s14], [sflag:$0x5] =	stream.indirect.gather [hbm4b:s0+s7], $0x80, s13, s7, $0xb8;
	[tilespmem:$0x1E400] =	vst v63  }
0xdf: {  	_ =	swait.ge [sflag:s15], $0x1000  }
0xe0: {  	p0 =	seq.s32 s8, $0x4C00;
	[sflag:s15] =	ssyncset.done $0x0  }
0xe1: {  	s20 =	sadd.s32 $0xFFFFFF00, s31;
	s13 =	simm.s32 @p0 $0x4;
	[sflag:s15] =	ssyncadd.s32 $0xFFFFF000  }
0xe2: {  	[spmem:s3] =	stream.indirect.scatter.add.f32 [tilespmem:s9], [sflag:$0x7], $0x80, s20, s7, $0xb8;
	[tilespmem:$0x1E400] =	vst v63  }
0xe3: {  	_ =	swait.ge @p0 [sflag:s13], $0x1000  }
0xe4: {  	s16 =	simm.s32 @p0 $0x20;
	[sflag:s13] =	ssyncset.done @p0 $0x0  }
0xe5: {  	s18 =	simm.s32 @p0 $0x1C400;
	[sflag:s13] =	ssyncadd.s32 @p0 $0xFFFFF000;
	s13 =	sadd.s32 @p0 $0xFFFFFF80, s31  }
0xe6: {  	[spmem:s3] =	stream.indirect.scatter.add.f32 @p0 [tilespmem:s18], [sflag:$0x8], $0x80, s13, s16, $0xb8;
	[tilespmem:$0x1E400] =	vst v63  }
0xe7: {  	s13 =	simm.s32 @!p0 $0x6  }
0xe8: {  	_ =	swait.ge @!p0 [sflag:s13], $0x1000  }
0xe9: {  	[sflag:s13] =	ssyncset.done @!p0 $0x0  }
0xea: {  	[sflag:s13] =	ssyncadd.s32 @!p0 $0xFFFFF000;
	s13 =	sshra.s32 @!p0 s8, $0x2  }
0xeb: {  	s20 =	simm.s32 @!p0 $0x1A400;
	s18 =	simm.s32 @!p0 $0x20;
	s16 =	sadd.s32 @!p0 $0x14100, s13  }
0xec: {  	[tilespmem:s20], [sflag:$0x2] =	stream.indirect.gather @!p0 [hbm4b:s0+s18], $0x80, s16, s18, $0xb8;
	[tilespmem:$0x1E400] =	vst v63  }
0xed: {  	s16 =	simm.s32 @!p0 $0x4  }
0xee: {  	_ =	swait.ge @!p0 [sflag:s16], $0x1000  }
0xef: {  	[sflag:s16] =	ssyncset.done @!p0 $0x0  }
0xf0: {  	s20 =	simm.s32 @!p0 $0x1C400;
	[sflag:s16] =	ssyncadd.s32 @!p0 $0xFFFFF000;
	s16 =	sadd.s32 @!p0 $0xFFFFFF80, s31  }
0xf1: {  	[spmem:s3] =	stream.indirect.scatter.add.f32 @!p0 [tilespmem:s20], [sflag:$0x8], $0x80, s16, s18, $0xb8;
	[tilespmem:$0x1E400] =	vst v63  }
0xf2: {  	s16 =	simm.s32 @!p0 $0x7  }
0xf3: {  	_ =	swait.ge @!p0 [sflag:s16], $0x1000  }
0xf4: {  	[sflag:s16] =	ssyncset.done @!p0 $0x0  }
0xf5: {  	s13 =	sadd.s32 @!p0 $0x14120, s13;
	[sflag:s16] =	ssyncadd.s32 @!p0 $0xFFFFF000;
	s16 =	simm.s32 @!p0 $0x1B400  }
0xf6: {  	[tilespmem:s16], [sflag:$0x3] =	stream.indirect.gather @!p0 [hbm4b:s0+s18], $0x80, s13, s18, $0xb8;
	[tilespmem:$0x1E400] =	vst v63  }
.Ltmp3:
0xf7: {  	_ = 	snop;
	(pc) =	sbr.rel @p0 .LBB2_6-.Ltmp3, $4  }
0xf8: {  	_ =	swait.ge [sflag:s23], $0x1000  }
0xf9: {  	[sflag:s23] =	ssyncset.done $0x0  }
0xfa: {  	[sflag:s23] =	ssyncadd.s32 $0xFFFFF000  }
0xfb: {  	[spmem:s3] =	stream.indirect.scatter.add.f32 [tilespmem:s14], [sflag:$0x9], $0x80, s31, s7, $0xb8;
	[tilespmem:$0x1E400] =	vst v63  }
.Ltmp4:
0xfc: {  	(pc) =	sbr.rel .LBB2_4-.Ltmp4, $4  }
0xfd: {  	_ =	swait.ge [sflag:s25], $0x1000  }
0xfe: {  	s10 =	sadd.s32 $0x14140, s10;
	[sflag:s25] =	ssyncset.done $0x0  }
0xff: {  	s8 =	sadd.s32 $0x200, s8;
	s31 =	sadd.s32 $0x200, s31;
	[sflag:s25] =	ssyncadd.s32 $0xFFFFF000  }
0x100: {  	[tilespmem:s11], [sflag:$0x4] =	stream.indirect.gather [hbm4b:s0+s7], $0x80, s10, s7, $0xb8;
	[tilespmem:$0x1E400] =	vst v63  }
.LBB2_6:
0x101: {  	_ =	swait.ge [sflag:s17], $0x1000  }
0x102: {  	[sflag:s17] =	ssyncset.done $0x0  }
0x103: {  	[sflag:s17] =	ssyncadd.s32 $0xFFFFF000  }
0x104: {  	_ =	swait.ge [sflag:s21], $0x1000  }
0x105: {  	[sflag:s21] =	ssyncset.done $0x0  }
0x106: {  	[sflag:s21] =	ssyncadd.s32 $0xFFFFF000  }
0x107: {  	_ =	swait.ge [sflag:s25], $0x1000  }
0x108: {  	[sflag:s25] =	ssyncset.done $0x0  }
0x109: {  	[sflag:s25] =	ssyncadd.s32 $0xFFFFF000  }
0x10a: {  	_ =	swait.ge [sflag:s28], $0x1000  }
0x10b: {  	[sflag:s28] =	ssyncset.done $0x0  }
0x10c: {  	s8 =	simm.s32 $0x0;
	s10 =	rddreg [dreg:$0x11];
	[sflag:s28] =	ssyncadd.s32 $0xFFFFF000  }
0x10d: {  	[tilespmem:s4], [sflag:$0x1] =	stream.linear.gather [hbm4b:s10+s8], $0x1400, $0x38;
	[tilespmem:$0x1E400] =	vst v63  }
0x10e: {  	s16 =	rddreg [dreg:$0x14]  }
0x10f: {  	[tilespmem:s6], [sflag:$0x1] =	stream.linear.gather [hbm4b:s16+s8], $0x5000, $0x38;
	[tilespmem:$0x1E400] =	vst v63  }
0x110: {  	_ =	swait.ge [sflag:s2], $0x1400  }
0x111: {  	[sflag:s2] =	ssyncset.done $0x0  }
0x112: {  	[sflag:s2] =	ssyncadd.s32 $0xFFFFEC00  }
0x113: {  	_ =	swait.ge [sflag:s2], $0x5000  }
0x114: {  	[sflag:s2] =	ssyncset.done $0x0  }
0x115: {  	[sflag:s2] =	ssyncadd.s32 $0xFFFFB000  }
0x116: {  	[tilespmem:s1], [sflag:$0x2] =	stream.indirect.gather [hbm4b:s0+s7], $0x80, s4, s7, $0xb8;
	[tilespmem:$0x1E400] =	vst v63  }
0x117: {  	s18 =	simm.s32 $0x14020  }
0x118: {  	[tilespmem:s9], [sflag:$0x3] =	stream.indirect.gather [hbm4b:s0+s7], $0x80, s18, s7, $0xb8;
	[tilespmem:$0x1E400] =	vst v63  }
0x119: {  	s20 =	simm.s32 $0x14040  }
0x11a: {  	[tilespmem:s11], [sflag:$0x4] =	stream.indirect.gather [hbm4b:s0+s7], $0x80, s20, s7, $0xb8;
	[tilespmem:$0x1E400] =	vst v63  }
0x11b: {  	_ =	swait.ge [sflag:s12], $0x1000  }
0x11c: {  	[sflag:s12] =	ssyncset.done $0x0  }
0x11d: {  	[sflag:s12] =	ssyncadd.s32 $0xFFFFF000  }
0x11e: {  	[spmem:s3] =	stream.indirect.scatter.add.f32 [tilespmem:s1], [sflag:$0x6], $0x80, s6, s7, $0xb8;
	[tilespmem:$0x1E400] =	vst v63  }
0x11f: {  	s13 =	simm.s32 $0x14060  }
0x120: {  	[tilespmem:s14], [sflag:$0x5] =	stream.indirect.gather [hbm4b:s0+s7], $0x80, s13, s7, $0xb8;
	[tilespmem:$0x1E400] =	vst v63  }
0x121: {  	_ =	swait.ge [sflag:s15], $0x1000  }
0x122: {  	[sflag:s15] =	ssyncset.done $0x0  }
0x123: {  	s16 =	simm.s32 $0x15480;
	[sflag:s15] =	ssyncadd.s32 $0xFFFFF000  }
0x124: {  	[spmem:s3] =	stream.indirect.scatter.add.f32 [tilespmem:s9], [sflag:$0x7], $0x80, s16, s7, $0xb8;
	[tilespmem:$0x1E400] =	vst v63  }
0x125: {  	_ =	swait.ge [sflag:s17], $0x1000  }
0x126: {  	[sflag:s17] =	ssyncset.done $0x0  }
0x127: {  	s18 =	simm.s32 $0x14080;
	[sflag:s17] =	ssyncadd.s32 $0xFFFFF000  }
0x128: {  	[tilespmem:s1], [sflag:$0x2] =	stream.indirect.gather [hbm4b:s0+s7], $0x80, s18, s7, $0xb8;
	[tilespmem:$0x1E400] =	vst v63  }
0x129: {  	_ =	swait.ge [sflag:s19], $0x1000  }
0x12a: {  	[sflag:s19] =	ssyncset.done $0x0  }
0x12b: {  	s20 =	simm.s32 $0x15500;
	[sflag:s19] =	ssyncadd.s32 $0xFFFFF000  }
0x12c: {  	[spmem:s3] =	stream.indirect.scatter.add.f32 [tilespmem:s11], [sflag:$0x8], $0x80, s20, s7, $0xb8;
	[tilespmem:$0x1E400] =	vst v63  }
0x12d: {  	_ =	swait.ge [sflag:s21], $0x1000  }
0x12e: {  	[sflag:s21] =	ssyncset.done $0x0  }
0x12f: {  	[sflag:s21] =	ssyncadd.s32 $0xFFFFF000  }
0x130: {  	[tilespmem:s9], [sflag:$0x3] =	stream.indirect.gather [hbm4b:s0+s7], $0x80, s22, s7, $0xb8;
	[tilespmem:$0x1E400] =	vst v63  }
0x131: {  	_ =	swait.ge [sflag:s23], $0x1000  }
0x132: {  	[sflag:s23] =	ssyncset.done $0x0  }
0x133: {  	[sflag:s23] =	ssyncadd.s32 $0xFFFFF000  }
0x134: {  	[spmem:s3] =	stream.indirect.scatter.add.f32 [tilespmem:s14], [sflag:$0x9], $0x80, s24, s7, $0xb8;
	[tilespmem:$0x1E400] =	vst v63  }
0x135: {  	_ =	swait.ge [sflag:s25], $0x1000  }
0x136: {  	[sflag:s25] =	ssyncset.done $0x0  }
0x137: {  	s31 =	simm.s32 $0x15780;
	[sflag:s25] =	ssyncadd.s32 $0xFFFFF000  }
0x138: {  	[tilespmem:s11], [sflag:$0x4] =	stream.indirect.gather [hbm4b:s0+s7], $0x80, s26, s7, $0xb8;
	[tilespmem:$0x1E400] =	vst v63  }
.LBB2_7:
0x139: {  	_ =	swait.ge [sflag:s12], $0x1000  }
0x13a: {  	[sflag:s12] =	ssyncset.done $0x0  }
0x13b: {  	s10 =	sadd.s32 $0xFFFFFE80, s31;
	[sflag:s12] =	ssyncadd.s32 $0xFFFFF000  }
0x13c: {  	[spmem:s3] =	stream.indirect.scatter.add.f32 [tilespmem:s1], [sflag:$0x6], $0x80, s10, s7, $0xb8;
	[tilespmem:$0x1E400] =	vst v63  }
0x13d: {  	_ =	swait.ge [sflag:s28], $0x1000  }
0x13e: {  	s10 =	sshra.s32 s8, $0x2;
	[sflag:s28] =	ssyncset.done $0x0  }
0x13f: {  	s13 =	sadd.s32 $0x140E0, s10;
	[sflag:s28] =	ssyncadd.s32 $0xFFFFF000  }
0x140: {  	[tilespmem:s14], [sflag:$0x5] =	stream.indirect.gather [hbm4b:s0+s7], $0x80, s13, s7, $0xb8;
	[tilespmem:$0x1E400] =	vst v63  }
0x141: {  	_ =	swait.ge [sflag:s15], $0x1000  }
0x142: {  	p0 =	seq.s32 s8, $0x4C00;
	[sflag:s15] =	ssyncset.done $0x0  }
0x143: {  	s20 =	sadd.s32 $0xFFFFFF00, s31;
	s13 =	simm.s32 @p0 $0x4;
	[sflag:s15] =	ssyncadd.s32 $0xFFFFF000  }
0x144: {  	[spmem:s3] =	stream.indirect.scatter.add.f32 [tilespmem:s9], [sflag:$0x7], $0x80, s20, s7, $0xb8;
	[tilespmem:$0x1E400] =	vst v63  }
0x145: {  	_ =	swait.ge @p0 [sflag:s13], $0x1000  }
0x146: {  	s16 =	simm.s32 @p0 $0x20;
	[sflag:s13] =	ssyncset.done @p0 $0x0  }
0x147: {  	s18 =	simm.s32 @p0 $0x1C400;
	[sflag:s13] =	ssyncadd.s32 @p0 $0xFFFFF000;
	s13 =	sadd.s32 @p0 $0xFFFFFF80, s31  }
0x148: {  	[spmem:s3] =	stream.indirect.scatter.add.f32 @p0 [tilespmem:s18], [sflag:$0x8], $0x80, s13, s16, $0xb8;
	[tilespmem:$0x1E400] =	vst v63  }
0x149: {  	s13 =	simm.s32 @!p0 $0x6  }
0x14a: {  	_ =	swait.ge @!p0 [sflag:s13], $0x1000  }
0x14b: {  	[sflag:s13] =	ssyncset.done @!p0 $0x0  }
0x14c: {  	[sflag:s13] =	ssyncadd.s32 @!p0 $0xFFFFF000;
	s13 =	sshra.s32 @!p0 s8, $0x2  }
0x14d: {  	s20 =	simm.s32 @!p0 $0x1A400;
	s18 =	simm.s32 @!p0 $0x20;
	s16 =	sadd.s32 @!p0 $0x14100, s13  }
0x14e: {  	[tilespmem:s20], [sflag:$0x2] =	stream.indirect.gather @!p0 [hbm4b:s0+s18], $0x80, s16, s18, $0xb8;
	[tilespmem:$0x1E400] =	vst v63  }
0x14f: {  	s16 =	simm.s32 @!p0 $0x4  }
0x150: {  	_ =	swait.ge @!p0 [sflag:s16], $0x1000  }
0x151: {  	[sflag:s16] =	ssyncset.done @!p0 $0x0  }
0x152: {  	s20 =	simm.s32 @!p0 $0x1C400;
	[sflag:s16] =	ssyncadd.s32 @!p0 $0xFFFFF000;
	s16 =	sadd.s32 @!p0 $0xFFFFFF80, s31  }
0x153: {  	[spmem:s3] =	stream.indirect.scatter.add.f32 @!p0 [tilespmem:s20], [sflag:$0x8], $0x80, s16, s18, $0xb8;
	[tilespmem:$0x1E400] =	vst v63  }
0x154: {  	s16 =	simm.s32 @!p0 $0x7  }
0x155: {  	_ =	swait.ge @!p0 [sflag:s16], $0x1000  }
0x156: {  	[sflag:s16] =	ssyncset.done @!p0 $0x0  }
0x157: {  	s13 =	sadd.s32 @!p0 $0x14120, s13;
	[sflag:s16] =	ssyncadd.s32 @!p0 $0xFFFFF000;
	s16 =	simm.s32 @!p0 $0x1B400  }
0x158: {  	[tilespmem:s16], [sflag:$0x3] =	stream.indirect.gather @!p0 [hbm4b:s0+s18], $0x80, s13, s18, $0xb8;
	[tilespmem:$0x1E400] =	vst v63  }
.Ltmp5:
0x159: {  	_ = 	snop;
	(pc) =	sbr.rel @p0 .LBB2_9-.Ltmp5, $4  }
0x15a: {  	_ =	swait.ge [sflag:s23], $0x1000  }
0x15b: {  	[sflag:s23] =	ssyncset.done $0x0  }
0x15c: {  	[sflag:s23] =	ssyncadd.s32 $0xFFFFF000  }
0x15d: {  	[spmem:s3] =	stream.indirect.scatter.add.f32 [tilespmem:s14], [sflag:$0x9], $0x80, s31, s7, $0xb8;
	[tilespmem:$0x1E400] =	vst v63  }
.Ltmp6:
0x15e: {  	(pc) =	sbr.rel .LBB2_7-.Ltmp6, $4  }
0x15f: {  	_ =	swait.ge [sflag:s25], $0x1000  }
0x160: {  	s10 =	sadd.s32 $0x14140, s10;
	[sflag:s25] =	ssyncset.done $0x0  }
0x161: {  	s8 =	sadd.s32 $0x200, s8;
	s31 =	sadd.s32 $0x200, s31;
	[sflag:s25] =	ssyncadd.s32 $0xFFFFF000  }
0x162: {  	[tilespmem:s11], [sflag:$0x4] =	stream.indirect.gather [hbm4b:s0+s7], $0x80, s10, s7, $0xb8;
	[tilespmem:$0x1E400] =	vst v63  }
.LBB2_10:
0x163: {  	_ =	sfence.sel $0x180000  }
0x164: {  	[bflag:$0x0] =	sbarrier.arrive $0xFFFF  }
0x165: {  	_ =	strace $0x9000004A  }
0x166: {  	s0 =	stileid.u32;
	[bflag:$0x2] =	sbarrier.arrive $0xFFFF  }
0x167: {  	p0 =	sne.s32 s0, $0x0;
	s0 =	rddreg [dreg:$0x3]  }
0x168: {  	s0 =	sadd.s32 @!p0 $0x100000, s0  }
0x169: {  	[sflag:s0] =	ssyncadd.tile.s32 @!p0 $0x1;
	_ =	shalt  }
.Lfunc_end2:
_tile_overlayer_lowered:
.L_overlay_start_2:
0x16a: {  	(tag) =	ssettag $0x2  }
0x16b: {  	s0 =	rddreg [dreg:$0x0];
	s2 =	stileid.u32  }
0x16c: {  	s1 =	rddreg [dreg:$0x1];
	p0 =	sne.s32 s2, $0x0  }
0x16d: {  	s3 =	rddreg [dreg:$0x2];
	[bflag:$0x3] =	sbarrier.arrive $0xFFFF;
	s2 =	simm.s32 @!p0 $0x1C0A  }
0x16e: {  	[timem:s3], [sflag:s2] =	dma.local @!p0 [hbm:s0], s1  }
0x16f: {  	s0 =	simm.s32 @!p0 $0xA  }
0x170: {  	_ =	swait.ge @!p0 [sflag:s0], s1  }
0x171: {  	s1 =	ssub.s32 @!p0 $0x0, s1;
	[sflag:s0] =	ssyncset.done @!p0 $0x0  }
0x172: {  	[sflag:s0] =	ssyncadd.s32 @!p0 s1  }
0x173: {  	[bflag:$0x3] =	sbarrier.arrive $0xFFFF  }
0x174: {  	_ =	shalt  }

</sc_bundles>
